<compile_context>
chip_gen: v7x
topology: tpu7x:2x2x1
jax: 0.10.2.dev20260603
libtpu: 0.0.44.dev20260713+nightly
codegen_flags: <defaults>
</compile_context>

<pallas_src>
import functools

import jax
import jax.numpy as jnp
from jax import lax
from jax.experimental import pallas as pl
from jax.experimental.pallas import tpu as pltpu
from jax.experimental.pallas import tpu_sc as plsc

B = 16384
E = 30
EP = 32
_XW = 4 * EP

_info = plsc.get_sparse_core_info()
_NC, _NS = _info.num_cores, _info.num_subcores
_NW = _NC * _NS
_BW = B // _NW


def _make_gather_kernel():
    mesh = plsc.VectorSubcoreMesh(core_axis_name="c", subcore_axis_name="s")

    @functools.partial(
        pl.kernel,
        mesh=mesh,
        compiler_params=pltpu.CompilerParams(use_tc_tiling_on_sc=False),
        out_type=[jax.ShapeDtypeStruct((B, 128), jnp.float32)] * 4,
        scratch_types=[
            pltpu.VMEM((_BW,), jnp.int32),
            pltpu.VMEM((_BW,), jnp.int32),
            pltpu.VMEM((_BW // 2, 128), jnp.float32),
            pltpu.VMEM((_BW // 2, 128), jnp.float32),
            pltpu.SemaphoreType.DMA,
            pltpu.SemaphoreType.DMA,
        ],
    )
    def gather_k(uidx_hbm, midx_hbm, uml_hbm, mml_hbm, umf_hbm, mmf_hbm,
                 o0, o1, o2, o3, uidx_v, midx_v, buf_a, buf_b, s0, s1):
        wid = lax.axis_index("s") * _NC + lax.axis_index("c")
        base = wid * _BW
        hw = _BW // 2
        pltpu.sync_copy(uidx_hbm.at[pl.ds(base, _BW)], uidx_v)
        pltpu.sync_copy(midx_hbm.at[pl.ds(base, _BW)], midx_v)
        steps = []
        for tab, idx_v, out in ((uml_hbm, uidx_v, o0), (mml_hbm, midx_v, o1),
                                (umf_hbm, uidx_v, o2), (mmf_hbm, midx_v, o3)):
            for h in range(2):
                steps.append((tab, idx_v.at[pl.ds(h * hw, hw)],
                              out.at[pl.ds(base + h * hw, hw)]))
        bufs = (buf_a, buf_b)
        sems = (s0, s1)
        copies = [None, None]
        for k, (tab, idx_v, dst) in enumerate(steps):
            p = k % 2
            if copies[p] is not None:
                copies[p].wait()
                pltpu.sync_copy(bufs[p], steps[k - 2][2])
            copies[p] = pltpu.async_copy(tab.at[idx_v], bufs[p], sems[p])
        for k in (len(steps) - 2, len(steps) - 1):
            p = k % 2
            copies[p].wait()
            pltpu.sync_copy(bufs[p], steps[k][2])

    return gather_k


_gather = _make_gather_kernel()

_BLK = 1024
_NBLK = B // _BLK


def _mlp_body(xue, xme, xuf, xmf, w0u, w0m, b0, w1t, b1, w2t, b2, am, af, ab,
              out_ref):
    ue = xue[:, :E]
    me = xme[:, :E]
    uf = xuf[:, :E]
    mf = xmf[:, :E]
    x0 = (jnp.dot(ue, w0u[...], preferred_element_type=jnp.float32)
          + jnp.dot(me, w0m[...], preferred_element_type=jnp.float32)
          + b0[...])
    h0 = jnp.maximum(x0, 0.0)
    h1 = jnp.maximum(
        jnp.dot(h0, w1t[...], preferred_element_type=jnp.float32) + b1[...],
        0.0)
    h2 = jnp.maximum(
        jnp.dot(h1, w2t[...], preferred_element_type=jnp.float32) + b2[...],
        0.0)
    mfv = uf * mf
    logit = (jnp.dot(h2, am[...], preferred_element_type=jnp.float32)
             + jnp.dot(mfv, af[...], preferred_element_type=jnp.float32)
             + ab[0, 0])
    out_ref[...] = logit * 5.0


def _rep(shape):
    return pl.BlockSpec(shape, lambda i: (0, 0))


_mlp_call = pl.pallas_call(
    _mlp_body,
    grid=(_NBLK,),
    in_specs=[
        pl.BlockSpec((_BLK, 128), lambda i: (i, 0)),
        pl.BlockSpec((_BLK, 128), lambda i: (i, 0)),
        pl.BlockSpec((_BLK, 128), lambda i: (i, 0)),
        pl.BlockSpec((_BLK, 128), lambda i: (i, 0)),
        _rep((E, 32)),
        _rep((E, 32)),
        _rep((1, 32)),
        _rep((32, 16)),
        _rep((1, 16)),
        _rep((16, 8)),
        _rep((1, 8)),
        _rep((8, 1)),
        _rep((E, 1)),
        _rep((1, 1)),
    ],
    out_specs=pl.BlockSpec((_BLK, 1), lambda i: (i, 0)),
    out_shape=jax.ShapeDtypeStruct((B, 1), jnp.float32),
)


def kernel(train_data, user_emb_mlp, movie_emb_mlp, user_emb_mf, movie_emb_mf,
           fc_w0, fc_b0, fc_w1, fc_b1, fc_w2, fc_b2, aff_w, aff_b):
    uidx = train_data[:, 0]
    midx = train_data[:, 1]
    pad = ((0, 0), (0, 128 - E))
    g0, g1, g2, g3 = _gather(
        uidx, midx,
        jnp.pad(user_emb_mlp, pad), jnp.pad(movie_emb_mlp, pad),
        jnp.pad(user_emb_mf, pad), jnp.pad(movie_emb_mf, pad))
    w0u = fc_w0[:, :E].T
    w0m = fc_w0[:, E:].T
    out = _mlp_call(
        g0, g1, g2, g3,
        w0u, w0m, fc_b0.reshape(1, -1),
        fc_w1.T, fc_b1.reshape(1, -1),
        fc_w2.T, fc_b2.reshape(1, -1),
        aff_w[0, :8].reshape(-1, 1), aff_w[0, 8:].reshape(-1, 1),
        aff_b.reshape(1, 1),
    )
    return out.reshape(-1)

# --- scband reference (transcript-rebuilt; emitter-appended) ---
"""Pipeline reference for scband-neural-cf-42949672960321 (READ-ONLY COPY).

The authoritative reference and input builder live on the scoring server;
editing this copy changes nothing except your own understanding.
"""

import jax, jax.numpy as jnp
import numpy as np

NUM_USERS = 100000
NUM_MOVIES = 100000
EMBED = 30
LAYERS = [60, 32, 16, 8]
MAX_RATING = 5.0
MIN_RATING = 1.0


def setup_inputs(seed: int = 0) -> dict:
    key = jax.random.key(seed)
    ks = jax.random.split(key, 16)
    train_data = jax.random.randint(ks[0], (16384, 2), 0, NUM_USERS, dtype=jnp.int64 if jax.config.jax_enable_x64 else jnp.int32).astype(jnp.int32)
    user_emb_mlp = jax.random.uniform(ks[1], (NUM_USERS, EMBED), minval=-0.1, maxval=0.1, dtype=jnp.float32)
    movie_emb_mlp = jax.random.uniform(ks[2], (NUM_MOVIES, EMBED), minval=-0.1, maxval=0.1, dtype=jnp.float32)
    user_emb_mf = jax.random.uniform(ks[3], (NUM_USERS, EMBED), minval=-0.1, maxval=0.1, dtype=jnp.float32)
    movie_emb_mf = jax.random.uniform(ks[4], (NUM_MOVIES, EMBED), minval=-0.1, maxval=0.1, dtype=jnp.float32)
    fc_ws = []
    fc_bs = []
    for i, (ins, outs) in enumerate(zip(LAYERS[:-1], LAYERS[1:])):
        bound = 1.0 / np.sqrt(ins)
        fc_ws.append(jax.random.uniform(ks[5 + 2 * i], (outs, ins), minval=-bound, maxval=bound, dtype=jnp.float32))
        fc_bs.append(jax.random.uniform(ks[6 + 2 * i], (outs,), minval=-bound, maxval=bound, dtype=jnp.float32))
    bound = 1.0 / np.sqrt(LAYERS[-1] + EMBED)
    aff_w = jax.random.uniform(ks[11], (1, LAYERS[-1] + EMBED), minval=-bound, maxval=bound, dtype=jnp.float32)
    aff_b = jax.random.uniform(ks[12], (1,), minval=-bound, maxval=bound, dtype=jnp.float32)
    return {
        'train_data': train_data,
        'user_emb_mlp': user_emb_mlp,
        'movie_emb_mlp': movie_emb_mlp,
        'user_emb_mf': user_emb_mf,
        'movie_emb_mf': movie_emb_mf,
        'fc_w0': fc_ws[0], 'fc_b0': fc_bs[0],
        'fc_w1': fc_ws[1], 'fc_b1': fc_bs[1],
        'fc_w2': fc_ws[2], 'fc_b2': fc_bs[2],
        'aff_w': aff_w, 'aff_b': aff_b,
    }


def reference(train_data, user_emb_mlp, movie_emb_mlp, user_emb_mf, movie_emb_mf,
              fc_w0, fc_b0, fc_w1, fc_b1, fc_w2, fc_b2, aff_w, aff_b):
    user_idx = train_data[:, 0]
    movie_idx = train_data[:, 1]
    ue_mlp = jnp.take(user_emb_mlp, user_idx, axis=0)
    me_mlp = jnp.take(movie_emb_mlp, movie_idx, axis=0)
    ue_mf = jnp.take(user_emb_mf, user_idx, axis=0)
    me_mf = jnp.take(movie_emb_mf, movie_idx, axis=0)
    mlp_vector = jnp.concatenate([ue_mlp, me_mlp], axis=-1)
    mf_vector = ue_mf * me_mf
    # dropout in eval semantics treated as identity (deterministic reference)
    for w, b in [(fc_w0, fc_b0), (fc_w1, fc_b1), (fc_w2, fc_b2)]:
        mlp_vector = mlp_vector @ w.T + b
        mlp_vector = jax.nn.relu(mlp_vector)
    vector = jnp.concatenate([mlp_vector, mf_vector], axis=-1)
    logits = vector @ aff_w.T + aff_b
    logits = logits * (MAX_RATING - MIN_RATING + 1) + MIN_RATING - 1
    return logits.reshape(-1)

if __name__ == "__main__":
    import jax
    _d = setup_inputs()
    print(jax.jit(kernel)(*tuple(_d.values())))

</pallas_src>

<mosaic_0001>
#map = affine_map<(d0, d1) -> (0)>
#map1 = affine_map<(d0, d1) -> (0, 0)>
module attributes {stable_mosaic.version = 14 : i64} {
  func.func @gather_k(%arg0: i32, %arg1: i32, %arg2: memref<16384xi32, #tpu.memory_space<hbm>>, %arg3: memref<16384xi32, #tpu.memory_space<hbm>>, %arg4: memref<100000x128xf32, #tpu.memory_space<hbm>>, %arg5: memref<100000x128xf32, #tpu.memory_space<hbm>>, %arg6: memref<100000x128xf32, #tpu.memory_space<hbm>>, %arg7: memref<100000x128xf32, #tpu.memory_space<hbm>>, %arg8: memref<16384x128xf32, #tpu.memory_space<hbm>>, %arg9: memref<16384x128xf32, #tpu.memory_space<hbm>>, %arg10: memref<16384x128xf32, #tpu.memory_space<hbm>>, %arg11: memref<16384x128xf32, #tpu.memory_space<hbm>>, %arg12: memref<512xi32, #tpu.memory_space<vmem>>, %arg13: memref<512xi32, #tpu.memory_space<vmem>>, %arg14: memref<256x128xf32, #tpu.memory_space<vmem>>, %arg15: memref<256x128xf32, #tpu.memory_space<vmem>>, %arg16: memref<!tpu.dma_semaphore, #tpu.memory_space<semaphore_mem>>, %arg17: memref<!tpu.dma_semaphore, #tpu.memory_space<semaphore_mem>>) attributes {dimension_semantics = [#tpu.dimension_semantics<core_parallel>, #tpu.dimension_semantics<subcore_parallel>], iteration_bounds = array<i64: 2, 16>, scalar_prefetch = 0 : i64, scratch_operands = 6 : i64, tpu.core_type = #tpu.core_type<sc_vector_subcore>, window_params = [{transform_indices = #map}, {transform_indices = #map}, {transform_indices = #map1}, {transform_indices = #map1}, {transform_indices = #map1}, {transform_indices = #map1}, {transform_indices = #map1}, {transform_indices = #map1}, {transform_indices = #map1}, {transform_indices = #map1}]} {
    %mul3A = arith.constant 2 : i32
    %mul3A_0 = arith.muli %arg1, %mul3A : i32
    %add3A = arith.addi %mul3A_0, %arg0 : i32
    %mul3A_1 = arith.constant 512 : i32
    %mul3A_2 = arith.muli %add3A, %mul3A_1 : i32
    "tpu.region"() ({
      %run_scoped3A = tpu.sem_alloc : memref<!tpu.dma_semaphore, #tpu.memory_space<semaphore_mem>>
      %dma_start3A_97 = tpu.memref_slice %arg2[%mul3A_2] : memref<16384xi32, #tpu.memory_space<hbm>> -> memref<512xi32, #tpu.memory_space<hbm>>
      %dma_start3A_98 = tpu.memref_slice %arg2[%mul3A_2] : memref<16384xi32, #tpu.memory_space<hbm>> -> memref<512xi32, #tpu.memory_space<hbm>>
      tpu.enqueue_dma source(%dma_start3A_98 : memref<512xi32, #tpu.memory_space<hbm>>) target(%arg12 : memref<512xi32, #tpu.memory_space<vmem>>) target_semaphore(%run_scoped3A : memref<!tpu.dma_semaphore, #tpu.memory_space<semaphore_mem>>)
      %dma_wait3A_99 = tpu.memref_slice %arg2[%mul3A_2] : memref<16384xi32, #tpu.memory_space<hbm>> -> memref<512xi32, #tpu.memory_space<hbm>>
      %dma_wait3A_100 = tpu.memref_slice %arg2[%mul3A_2] : memref<16384xi32, #tpu.memory_space<hbm>> -> memref<512xi32, #tpu.memory_space<hbm>>
      tpu.wait_dma2 semaphore(%run_scoped3A : memref<!tpu.dma_semaphore, #tpu.memory_space<semaphore_mem>>) src(%dma_wait3A_100 : memref<512xi32, #tpu.memory_space<hbm>>) dst(%arg12 : memref<512xi32, #tpu.memory_space<vmem>>)
      tpu.yield
    }) : () -> ()
    "tpu.region"() ({
      %run_scoped3A = tpu.sem_alloc : memref<!tpu.dma_semaphore, #tpu.memory_space<semaphore_mem>>
      %dma_start3A_97 = tpu.memref_slice %arg3[%mul3A_2] : memref<16384xi32, #tpu.memory_space<hbm>> -> memref<512xi32, #tpu.memory_space<hbm>>
      %dma_start3A_98 = tpu.memref_slice %arg3[%mul3A_2] : memref<16384xi32, #tpu.memory_space<hbm>> -> memref<512xi32, #tpu.memory_space<hbm>>
      tpu.enqueue_dma source(%dma_start3A_98 : memref<512xi32, #tpu.memory_space<hbm>>) target(%arg13 : memref<512xi32, #tpu.memory_space<vmem>>) target_semaphore(%run_scoped3A : memref<!tpu.dma_semaphore, #tpu.memory_space<semaphore_mem>>)
      %dma_wait3A_99 = tpu.memref_slice %arg3[%mul3A_2] : memref<16384xi32, #tpu.memory_space<hbm>> -> memref<512xi32, #tpu.memory_space<hbm>>
      %dma_wait3A_100 = tpu.memref_slice %arg3[%mul3A_2] : memref<16384xi32, #tpu.memory_space<hbm>> -> memref<512xi32, #tpu.memory_space<hbm>>
      tpu.wait_dma2 semaphore(%run_scoped3A : memref<!tpu.dma_semaphore, #tpu.memory_space<semaphore_mem>>) src(%dma_wait3A_100 : memref<512xi32, #tpu.memory_space<hbm>>) dst(%arg13 : memref<512xi32, #tpu.memory_space<vmem>>)
      tpu.yield
    }) : () -> ()
    %add3A_3 = arith.constant 0 : i32
    %add3A_4 = arith.addi %mul3A_2, %add3A_3 : i32
    %add3A_5 = arith.constant 256 : i32
    %add3A_6 = arith.addi %mul3A_2, %add3A_5 : i32
    %add3A_7 = arith.constant 0 : i32
    %add3A_8 = arith.addi %mul3A_2, %add3A_7 : i32
    %add3A_9 = arith.constant 256 : i32
    %add3A_10 = arith.addi %mul3A_2, %add3A_9 : i32
    %add3A_11 = arith.constant 0 : i32
    %add3A_12 = arith.addi %mul3A_2, %add3A_11 : i32
    %add3A_13 = arith.constant 256 : i32
    %add3A_14 = arith.addi %mul3A_2, %add3A_13 : i32
    %add3A_15 = arith.constant 0 : i32
    %add3A_16 = arith.addi %mul3A_2, %add3A_15 : i32
    %add3A_17 = arith.constant 256 : i32
    %add3A_18 = arith.addi %mul3A_2, %add3A_17 : i32
    %dma_start3A = arith.constant 0 : i32
    %dma_start3A_19 = tpu.memref_slice %arg12[%dma_start3A] : memref<512xi32, #tpu.memory_space<vmem>> -> memref<256xi32, #tpu.memory_space<vmem>>
    %dma_start3A_20 = arith.constant 0 : i32
    %dma_start3A_21 = arith.constant 0 : i32
    %dma_start3A_22 = tpu.memref_slice %arg4[%dma_start3A_20, %dma_start3A_21] : memref<100000x128xf32, #tpu.memory_space<hbm>> -> memref<100000x128xf32, #tpu.memory_space<hbm>>
    tpu.enqueue_indirect_dma source(%dma_start3A_22 : memref<100000x128xf32, #tpu.memory_space<hbm>>) target(%arg14 : memref<256x128xf32, #tpu.memory_space<vmem>>) offsets(%dma_start3A_19 : memref<256xi32, #tpu.memory_space<vmem>>) semaphore(%arg16 : memref<!tpu.dma_semaphore, #tpu.memory_space<semaphore_mem>>)
    %dma_start3A_23 = arith.constant 256 : i32
    %dma_start3A_24 = tpu.memref_slice %arg12[%dma_start3A_23] : memref<512xi32, #tpu.memory_space<vmem>> -> memref<256xi32, #tpu.memory_space<vmem>>
    %dma_start3A_25 = arith.constant 0 : i32
    %dma_start3A_26 = arith.constant 0 : i32
    %dma_start3A_27 = tpu.memref_slice %arg4[%dma_start3A_25, %dma_start3A_26] : memref<100000x128xf32, #tpu.memory_space<hbm>> -> memref<100000x128xf32, #tpu.memory_space<hbm>>
    tpu.enqueue_indirect_dma source(%dma_start3A_27 : memref<100000x128xf32, #tpu.memory_space<hbm>>) target(%arg15 : memref<256x128xf32, #tpu.memory_space<vmem>>) offsets(%dma_start3A_24 : memref<256xi32, #tpu.memory_space<vmem>>) semaphore(%arg17 : memref<!tpu.dma_semaphore, #tpu.memory_space<semaphore_mem>>)
    %dma_wait3A = arith.constant 0 : i32
    %dma_wait3A_28 = tpu.memref_slice %arg12[%dma_wait3A] : memref<512xi32, #tpu.memory_space<vmem>> -> memref<256xi32, #tpu.memory_space<vmem>>
    %dma_wait3A_29 = arith.constant 0 : i32
    %dma_wait3A_30 = arith.constant 0 : i32
    %dma_wait3A_31 = tpu.memref_slice %arg4[%dma_wait3A_29, %dma_wait3A_30] : memref<100000x128xf32, #tpu.memory_space<hbm>> -> memref<100000x128xf32, #tpu.memory_space<hbm>>
    tpu.wait_indirect_dma semaphore(%arg16 : memref<!tpu.dma_semaphore, #tpu.memory_space<semaphore_mem>>) src(%dma_wait3A_31 : memref<100000x128xf32, #tpu.memory_space<hbm>>) dst(%arg14 : memref<256x128xf32, #tpu.memory_space<vmem>>)
    "tpu.region"() ({
      %run_scoped3A = tpu.sem_alloc : memref<!tpu.dma_semaphore, #tpu.memory_space<semaphore_mem>>
      %dma_start3A_97 = arith.constant 0 : i32
      %dma_start3A_98 = tpu.memref_slice %arg8[%add3A_4, %dma_start3A_97] : memref<16384x128xf32, #tpu.memory_space<hbm>> -> memref<256x128xf32, #tpu.memory_space<hbm>>
      %dma_start3A_99 = arith.constant 0 : i32
      %dma_start3A_100 = tpu.memref_slice %arg8[%add3A_4, %dma_start3A_99] : memref<16384x128xf32, #tpu.memory_space<hbm>> -> memref<256x128xf32, #tpu.memory_space<hbm>>
      tpu.enqueue_dma source(%arg14 : memref<256x128xf32, #tpu.memory_space<vmem>>) target(%dma_start3A_100 : memref<256x128xf32, #tpu.memory_space<hbm>>) target_semaphore(%run_scoped3A : memref<!tpu.dma_semaphore, #tpu.memory_space<semaphore_mem>>)
      %dma_wait3A_101 = arith.constant 0 : i32
      %dma_wait3A_102 = tpu.memref_slice %arg8[%add3A_4, %dma_wait3A_101] : memref<16384x128xf32, #tpu.memory_space<hbm>> -> memref<256x128xf32, #tpu.memory_space<hbm>>
      %dma_wait3A_103 = arith.constant 0 : i32
      %dma_wait3A_104 = tpu.memref_slice %arg8[%add3A_4, %dma_wait3A_103] : memref<16384x128xf32, #tpu.memory_space<hbm>> -> memref<256x128xf32, #tpu.memory_space<hbm>>
      tpu.wait_dma2 semaphore(%run_scoped3A : memref<!tpu.dma_semaphore, #tpu.memory_space<semaphore_mem>>) src(%arg14 : memref<256x128xf32, #tpu.memory_space<vmem>>) dst(%dma_wait3A_104 : memref<256x128xf32, #tpu.memory_space<hbm>>)
      tpu.yield
    }) : () -> ()
    %dma_start3A_32 = arith.constant 0 : i32
    %dma_start3A_33 = tpu.memref_slice %arg13[%dma_start3A_32] : memref<512xi32, #tpu.memory_space<vmem>> -> memref<256xi32, #tpu.memory_space<vmem>>
    %dma_start3A_34 = arith.constant 0 : i32
    %dma_start3A_35 = arith.constant 0 : i32
    %dma_start3A_36 = tpu.memref_slice %arg5[%dma_start3A_34, %dma_start3A_35] : memref<100000x128xf32, #tpu.memory_space<hbm>> -> memref<100000x128xf32, #tpu.memory_space<hbm>>
    tpu.enqueue_indirect_dma source(%dma_start3A_36 : memref<100000x128xf32, #tpu.memory_space<hbm>>) target(%arg14 : memref<256x128xf32, #tpu.memory_space<vmem>>) offsets(%dma_start3A_33 : memref<256xi32, #tpu.memory_space<vmem>>) semaphore(%arg16 : memref<!tpu.dma_semaphore, #tpu.memory_space<semaphore_mem>>)
    %dma_wait3A_37 = arith.constant 256 : i32
    %dma_wait3A_38 = tpu.memref_slice %arg12[%dma_wait3A_37] : memref<512xi32, #tpu.memory_space<vmem>> -> memref<256xi32, #tpu.memory_space<vmem>>
    %dma_wait3A_39 = arith.constant 0 : i32
    %dma_wait3A_40 = arith.constant 0 : i32
    %dma_wait3A_41 = tpu.memref_slice %arg4[%dma_wait3A_39, %dma_wait3A_40] : memref<100000x128xf32, #tpu.memory_space<hbm>> -> memref<100000x128xf32, #tpu.memory_space<hbm>>
    tpu.wait_indirect_dma semaphore(%arg17 : memref<!tpu.dma_semaphore, #tpu.memory_space<semaphore_mem>>) src(%dma_wait3A_41 : memref<100000x128xf32, #tpu.memory_space<hbm>>) dst(%arg15 : memref<256x128xf32, #tpu.memory_space<vmem>>)
    "tpu.region"() ({
      %run_scoped3A = tpu.sem_alloc : memref<!tpu.dma_semaphore, #tpu.memory_space<semaphore_mem>>
      %dma_start3A_97 = arith.constant 0 : i32
      %dma_start3A_98 = tpu.memref_slice %arg8[%add3A_6, %dma_start3A_97] : memref<16384x128xf32, #tpu.memory_space<hbm>> -> memref<256x128xf32, #tpu.memory_space<hbm>>
      %dma_start3A_99 = arith.constant 0 : i32
      %dma_start3A_100 = tpu.memref_slice %arg8[%add3A_6, %dma_start3A_99] : memref<16384x128xf32, #tpu.memory_space<hbm>> -> memref<256x128xf32, #tpu.memory_space<hbm>>
      tpu.enqueue_dma source(%arg15 : memref<256x128xf32, #tpu.memory_space<vmem>>) target(%dma_start3A_100 : memref<256x128xf32, #tpu.memory_space<hbm>>) target_semaphore(%run_scoped3A : memref<!tpu.dma_semaphore, #tpu.memory_space<semaphore_mem>>)
      %dma_wait3A_101 = arith.constant 0 : i32
      %dma_wait3A_102 = tpu.memref_slice %arg8[%add3A_6, %dma_wait3A_101] : memref<16384x128xf32, #tpu.memory_space<hbm>> -> memref<256x128xf32, #tpu.memory_space<hbm>>
      %dma_wait3A_103 = arith.constant 0 : i32
      %dma_wait3A_104 = tpu.memref_slice %arg8[%add3A_6, %dma_wait3A_103] : memref<16384x128xf32, #tpu.memory_space<hbm>> -> memref<256x128xf32, #tpu.memory_space<hbm>>
      tpu.wait_dma2 semaphore(%run_scoped3A : memref<!tpu.dma_semaphore, #tpu.memory_space<semaphore_mem>>) src(%arg15 : memref<256x128xf32, #tpu.memory_space<vmem>>) dst(%dma_wait3A_104 : memref<256x128xf32, #tpu.memory_space<hbm>>)
      tpu.yield
    }) : () -> ()
    %dma_start3A_42 = arith.constant 256 : i32
    %dma_start3A_43 = tpu.memref_slice %arg13[%dma_start3A_42] : memref<512xi32, #tpu.memory_space<vmem>> -> memref<256xi32, #tpu.memory_space<vmem>>
    %dma_start3A_44 = arith.constant 0 : i32
    %dma_start3A_45 = arith.constant 0 : i32
    %dma_start3A_46 = tpu.memref_slice %arg5[%dma_start3A_44, %dma_start3A_45] : memref<100000x128xf32, #tpu.memory_space<hbm>> -> memref<100000x128xf32, #tpu.memory_space<hbm>>
    tpu.enqueue_indirect_dma source(%dma_start3A_46 : memref<100000x128xf32, #tpu.memory_space<hbm>>) target(%arg15 : memref<256x128xf32, #tpu.memory_space<vmem>>) offsets(%dma_start3A_43 : memref<256xi32, #tpu.memory_space<vmem>>) semaphore(%arg17 : memref<!tpu.dma_semaphore, #tpu.memory_space<semaphore_mem>>)
    %dma_wait3A_47 = arith.constant 0 : i32
    %dma_wait3A_48 = tpu.memref_slice %arg13[%dma_wait3A_47] : memref<512xi32, #tpu.memory_space<vmem>> -> memref<256xi32, #tpu.memory_space<vmem>>
    %dma_wait3A_49 = arith.constant 0 : i32
    %dma_wait3A_50 = arith.constant 0 : i32
    %dma_wait3A_51 = tpu.memref_slice %arg5[%dma_wait3A_49, %dma_wait3A_50] : memref<100000x128xf32, #tpu.memory_space<hbm>> -> memref<100000x128xf32, #tpu.memory_space<hbm>>
    tpu.wait_indirect_dma semaphore(%arg16 : memref<!tpu.dma_semaphore, #tpu.memory_space<semaphore_mem>>) src(%dma_wait3A_51 : memref<100000x128xf32, #tpu.memory_space<hbm>>) dst(%arg14 : memref<256x128xf32, #tpu.memory_space<vmem>>)
    "tpu.region"() ({
      %run_scoped3A = tpu.sem_alloc : memref<!tpu.dma_semaphore, #tpu.memory_space<semaphore_mem>>
      %dma_start3A_97 = arith.constant 0 : i32
      %dma_start3A_98 = tpu.memref_slice %arg9[%add3A_8, %dma_start3A_97] : memref<16384x128xf32, #tpu.memory_space<hbm>> -> memref<256x128xf32, #tpu.memory_space<hbm>>
      %dma_start3A_99 = arith.constant 0 : i32
      %dma_start3A_100 = tpu.memref_slice %arg9[%add3A_8, %dma_start3A_99] : memref<16384x128xf32, #tpu.memory_space<hbm>> -> memref<256x128xf32, #tpu.memory_space<hbm>>
      tpu.enqueue_dma source(%arg14 : memref<256x128xf32, #tpu.memory_space<vmem>>) target(%dma_start3A_100 : memref<256x128xf32, #tpu.memory_space<hbm>>) target_semaphore(%run_scoped3A : memref<!tpu.dma_semaphore, #tpu.memory_space<semaphore_mem>>)
      %dma_wait3A_101 = arith.constant 0 : i32
      %dma_wait3A_102 = tpu.memref_slice %arg9[%add3A_8, %dma_wait3A_101] : memref<16384x128xf32, #tpu.memory_space<hbm>> -> memref<256x128xf32, #tpu.memory_space<hbm>>
      %dma_wait3A_103 = arith.constant 0 : i32
      %dma_wait3A_104 = tpu.memref_slice %arg9[%add3A_8, %dma_wait3A_103] : memref<16384x128xf32, #tpu.memory_space<hbm>> -> memref<256x128xf32, #tpu.memory_space<hbm>>
      tpu.wait_dma2 semaphore(%run_scoped3A : memref<!tpu.dma_semaphore, #tpu.memory_space<semaphore_mem>>) src(%arg14 : memref<256x128xf32, #tpu.memory_space<vmem>>) dst(%dma_wait3A_104 : memref<256x128xf32, #tpu.memory_space<hbm>>)
      tpu.yield
    }) : () -> ()
    %dma_start3A_52 = arith.constant 0 : i32
    %dma_start3A_53 = tpu.memref_slice %arg12[%dma_start3A_52] : memref<512xi32, #tpu.memory_space<vmem>> -> memref<256xi32, #tpu.memory_space<vmem>>
    %dma_start3A_54 = arith.constant 0 : i32
    %dma_start3A_55 = arith.constant 0 : i32
    %dma_start3A_56 = tpu.memref_slice %arg6[%dma_start3A_54, %dma_start3A_55] : memref<100000x128xf32, #tpu.memory_space<hbm>> -> memref<100000x128xf32, #tpu.memory_space<hbm>>
    tpu.enqueue_indirect_dma source(%dma_start3A_56 : memref<100000x128xf32, #tpu.memory_space<hbm>>) target(%arg14 : memref<256x128xf32, #tpu.memory_space<vmem>>) offsets(%dma_start3A_53 : memref<256xi32, #tpu.memory_space<vmem>>) semaphore(%arg16 : memref<!tpu.dma_semaphore, #tpu.memory_space<semaphore_mem>>)
    %dma_wait3A_57 = arith.constant 256 : i32
    %dma_wait3A_58 = tpu.memref_slice %arg13[%dma_wait3A_57] : memref<512xi32, #tpu.memory_space<vmem>> -> memref<256xi32, #tpu.memory_space<vmem>>
    %dma_wait3A_59 = arith.constant 0 : i32
    %dma_wait3A_60 = arith.constant 0 : i32
    %dma_wait3A_61 = tpu.memref_slice %arg5[%dma_wait3A_59, %dma_wait3A_60] : memref<100000x128xf32, #tpu.memory_space<hbm>> -> memref<100000x128xf32, #tpu.memory_space<hbm>>
    tpu.wait_indirect_dma semaphore(%arg17 : memref<!tpu.dma_semaphore, #tpu.memory_space<semaphore_mem>>) src(%dma_wait3A_61 : memref<100000x128xf32, #tpu.memory_space<hbm>>) dst(%arg15 : memref<256x128xf32, #tpu.memory_space<vmem>>)
    "tpu.region"() ({
      %run_scoped3A = tpu.sem_alloc : memref<!tpu.dma_semaphore, #tpu.memory_space<semaphore_mem>>
      %dma_start3A_97 = arith.constant 0 : i32
      %dma_start3A_98 = tpu.memref_slice %arg9[%add3A_10, %dma_start3A_97] : memref<16384x128xf32, #tpu.memory_space<hbm>> -> memref<256x128xf32, #tpu.memory_space<hbm>>
      %dma_start3A_99 = arith.constant 0 : i32
      %dma_start3A_100 = tpu.memref_slice %arg9[%add3A_10, %dma_start3A_99] : memref<16384x128xf32, #tpu.memory_space<hbm>> -> memref<256x128xf32, #tpu.memory_space<hbm>>
      tpu.enqueue_dma source(%arg15 : memref<256x128xf32, #tpu.memory_space<vmem>>) target(%dma_start3A_100 : memref<256x128xf32, #tpu.memory_space<hbm>>) target_semaphore(%run_scoped3A : memref<!tpu.dma_semaphore, #tpu.memory_space<semaphore_mem>>)
      %dma_wait3A_101 = arith.constant 0 : i32
      %dma_wait3A_102 = tpu.memref_slice %arg9[%add3A_10, %dma_wait3A_101] : memref<16384x128xf32, #tpu.memory_space<hbm>> -> memref<256x128xf32, #tpu.memory_space<hbm>>
      %dma_wait3A_103 = arith.constant 0 : i32
      %dma_wait3A_104 = tpu.memref_slice %arg9[%add3A_10, %dma_wait3A_103] : memref<16384x128xf32, #tpu.memory_space<hbm>> -> memref<256x128xf32, #tpu.memory_space<hbm>>
      tpu.wait_dma2 semaphore(%run_scoped3A : memref<!tpu.dma_semaphore, #tpu.memory_space<semaphore_mem>>) src(%arg15 : memref<256x128xf32, #tpu.memory_space<vmem>>) dst(%dma_wait3A_104 : memref<256x128xf32, #tpu.memory_space<hbm>>)
      tpu.yield
    }) : () -> ()
    %dma_start3A_62 = arith.constant 256 : i32
    %dma_start3A_63 = tpu.memref_slice %arg12[%dma_start3A_62] : memref<512xi32, #tpu.memory_space<vmem>> -> memref<256xi32, #tpu.memory_space<vmem>>
    %dma_start3A_64 = arith.constant 0 : i32
    %dma_start3A_65 = arith.constant 0 : i32
    %dma_start3A_66 = tpu.memref_slice %arg6[%dma_start3A_64, %dma_start3A_65] : memref<100000x128xf32, #tpu.memory_space<hbm>> -> memref<100000x128xf32, #tpu.memory_space<hbm>>
    tpu.enqueue_indirect_dma source(%dma_start3A_66 : memref<100000x128xf32, #tpu.memory_space<hbm>>) target(%arg15 : memref<256x128xf32, #tpu.memory_space<vmem>>) offsets(%dma_start3A_63 : memref<256xi32, #tpu.memory_space<vmem>>) semaphore(%arg17 : memref<!tpu.dma_semaphore, #tpu.memory_space<semaphore_mem>>)
    %dma_wait3A_67 = arith.constant 0 : i32
    %dma_wait3A_68 = tpu.memref_slice %arg12[%dma_wait3A_67] : memref<512xi32, #tpu.memory_space<vmem>> -> memref<256xi32, #tpu.memory_space<vmem>>
    %dma_wait3A_69 = arith.constant 0 : i32
    %dma_wait3A_70 = arith.constant 0 : i32
    %dma_wait3A_71 = tpu.memref_slice %arg6[%dma_wait3A_69, %dma_wait3A_70] : memref<100000x128xf32, #tpu.memory_space<hbm>> -> memref<100000x128xf32, #tpu.memory_space<hbm>>
    tpu.wait_indirect_dma semaphore(%arg16 : memref<!tpu.dma_semaphore, #tpu.memory_space<semaphore_mem>>) src(%dma_wait3A_71 : memref<100000x128xf32, #tpu.memory_space<hbm>>) dst(%arg14 : memref<256x128xf32, #tpu.memory_space<vmem>>)
    "tpu.region"() ({
      %run_scoped3A = tpu.sem_alloc : memref<!tpu.dma_semaphore, #tpu.memory_space<semaphore_mem>>
      %dma_start3A_97 = arith.constant 0 : i32
      %dma_start3A_98 = tpu.memref_slice %arg10[%add3A_12, %dma_start3A_97] : memref<16384x128xf32, #tpu.memory_space<hbm>> -> memref<256x128xf32, #tpu.memory_space<hbm>>
      %dma_start3A_99 = arith.constant 0 : i32
      %dma_start3A_100 = tpu.memref_slice %arg10[%add3A_12, %dma_start3A_99] : memref<16384x128xf32, #tpu.memory_space<hbm>> -> memref<256x128xf32, #tpu.memory_space<hbm>>
      tpu.enqueue_dma source(%arg14 : memref<256x128xf32, #tpu.memory_space<vmem>>) target(%dma_start3A_100 : memref<256x128xf32, #tpu.memory_space<hbm>>) target_semaphore(%run_scoped3A : memref<!tpu.dma_semaphore, #tpu.memory_space<semaphore_mem>>)
      %dma_wait3A_101 = arith.constant 0 : i32
      %dma_wait3A_102 = tpu.memref_slice %arg10[%add3A_12, %dma_wait3A_101] : memref<16384x128xf32, #tpu.memory_space<hbm>> -> memref<256x128xf32, #tpu.memory_space<hbm>>
      %dma_wait3A_103 = arith.constant 0 : i32
      %dma_wait3A_104 = tpu.memref_slice %arg10[%add3A_12, %dma_wait3A_103] : memref<16384x128xf32, #tpu.memory_space<hbm>> -> memref<256x128xf32, #tpu.memory_space<hbm>>
      tpu.wait_dma2 semaphore(%run_scoped3A : memref<!tpu.dma_semaphore, #tpu.memory_space<semaphore_mem>>) src(%arg14 : memref<256x128xf32, #tpu.memory_space<vmem>>) dst(%dma_wait3A_104 : memref<256x128xf32, #tpu.memory_space<hbm>>)
      tpu.yield
    }) : () -> ()
    %dma_start3A_72 = arith.constant 0 : i32
    %dma_start3A_73 = tpu.memref_slice %arg13[%dma_start3A_72] : memref<512xi32, #tpu.memory_space<vmem>> -> memref<256xi32, #tpu.memory_space<vmem>>
    %dma_start3A_74 = arith.constant 0 : i32
    %dma_start3A_75 = arith.constant 0 : i32
    %dma_start3A_76 = tpu.memref_slice %arg7[%dma_start3A_74, %dma_start3A_75] : memref<100000x128xf32, #tpu.memory_space<hbm>> -> memref<100000x128xf32, #tpu.memory_space<hbm>>
    tpu.enqueue_indirect_dma source(%dma_start3A_76 : memref<100000x128xf32, #tpu.memory_space<hbm>>) target(%arg14 : memref<256x128xf32, #tpu.memory_space<vmem>>) offsets(%dma_start3A_73 : memref<256xi32, #tpu.memory_space<vmem>>) semaphore(%arg16 : memref<!tpu.dma_semaphore, #tpu.memory_space<semaphore_mem>>)
    %dma_wait3A_77 = arith.constant 256 : i32
    %dma_wait3A_78 = tpu.memref_slice %arg12[%dma_wait3A_77] : memref<512xi32, #tpu.memory_space<vmem>> -> memref<256xi32, #tpu.memory_space<vmem>>
    %dma_wait3A_79 = arith.constant 0 : i32
    %dma_wait3A_80 = arith.constant 0 : i32
    %dma_wait3A_81 = tpu.memref_slice %arg6[%dma_wait3A_79, %dma_wait3A_80] : memref<100000x128xf32, #tpu.memory_space<hbm>> -> memref<100000x128xf32, #tpu.memory_space<hbm>>
    tpu.wait_indirect_dma semaphore(%arg17 : memref<!tpu.dma_semaphore, #tpu.memory_space<semaphore_mem>>) src(%dma_wait3A_81 : memref<100000x128xf32, #tpu.memory_space<hbm>>) dst(%arg15 : memref<256x128xf32, #tpu.memory_space<vmem>>)
    "tpu.region"() ({
      %run_scoped3A = tpu.sem_alloc : memref<!tpu.dma_semaphore, #tpu.memory_space<semaphore_mem>>
      %dma_start3A_97 = arith.constant 0 : i32
      %dma_start3A_98 = tpu.memref_slice %arg10[%add3A_14, %dma_start3A_97] : memref<16384x128xf32, #tpu.memory_space<hbm>> -> memref<256x128xf32, #tpu.memory_space<hbm>>
      %dma_start3A_99 = arith.constant 0 : i32
      %dma_start3A_100 = tpu.memref_slice %arg10[%add3A_14, %dma_start3A_99] : memref<16384x128xf32, #tpu.memory_space<hbm>> -> memref<256x128xf32, #tpu.memory_space<hbm>>
      tpu.enqueue_dma source(%arg15 : memref<256x128xf32, #tpu.memory_space<vmem>>) target(%dma_start3A_100 : memref<256x128xf32, #tpu.memory_space<hbm>>) target_semaphore(%run_scoped3A : memref<!tpu.dma_semaphore, #tpu.memory_space<semaphore_mem>>)
      %dma_wait3A_101 = arith.constant 0 : i32
      %dma_wait3A_102 = tpu.memref_slice %arg10[%add3A_14, %dma_wait3A_101] : memref<16384x128xf32, #tpu.memory_space<hbm>> -> memref<256x128xf32, #tpu.memory_space<hbm>>
      %dma_wait3A_103 = arith.constant 0 : i32
      %dma_wait3A_104 = tpu.memref_slice %arg10[%add3A_14, %dma_wait3A_103] : memref<16384x128xf32, #tpu.memory_space<hbm>> -> memref<256x128xf32, #tpu.memory_space<hbm>>
      tpu.wait_dma2 semaphore(%run_scoped3A : memref<!tpu.dma_semaphore, #tpu.memory_space<semaphore_mem>>) src(%arg15 : memref<256x128xf32, #tpu.memory_space<vmem>>) dst(%dma_wait3A_104 : memref<256x128xf32, #tpu.memory_space<hbm>>)
      tpu.yield
    }) : () -> ()
    %dma_start3A_82 = arith.constant 256 : i32
    %dma_start3A_83 = tpu.memref_slice %arg13[%dma_start3A_82] : memref<512xi32, #tpu.memory_space<vmem>> -> memref<256xi32, #tpu.memory_space<vmem>>
    %dma_start3A_84 = arith.constant 0 : i32
    %dma_start3A_85 = arith.constant 0 : i32
    %dma_start3A_86 = tpu.memref_slice %arg7[%dma_start3A_84, %dma_start3A_85] : memref<100000x128xf32, #tpu.memory_space<hbm>> -> memref<100000x128xf32, #tpu.memory_space<hbm>>
    tpu.enqueue_indirect_dma source(%dma_start3A_86 : memref<100000x128xf32, #tpu.memory_space<hbm>>) target(%arg15 : memref<256x128xf32, #tpu.memory_space<vmem>>) offsets(%dma_start3A_83 : memref<256xi32, #tpu.memory_space<vmem>>) semaphore(%arg17 : memref<!tpu.dma_semaphore, #tpu.memory_space<semaphore_mem>>)
    %dma_wait3A_87 = arith.constant 0 : i32
    %dma_wait3A_88 = tpu.memref_slice %arg13[%dma_wait3A_87] : memref<512xi32, #tpu.memory_space<vmem>> -> memref<256xi32, #tpu.memory_space<vmem>>
    %dma_wait3A_89 = arith.constant 0 : i32
    %dma_wait3A_90 = arith.constant 0 : i32
    %dma_wait3A_91 = tpu.memref_slice %arg7[%dma_wait3A_89, %dma_wait3A_90] : memref<100000x128xf32, #tpu.memory_space<hbm>> -> memref<100000x128xf32, #tpu.memory_space<hbm>>
    tpu.wait_indirect_dma semaphore(%arg16 : memref<!tpu.dma_semaphore, #tpu.memory_space<semaphore_mem>>) src(%dma_wait3A_91 : memref<100000x128xf32, #tpu.memory_space<hbm>>) dst(%arg14 : memref<256x128xf32, #tpu.memory_space<vmem>>)
    "tpu.region"() ({
      %run_scoped3A = tpu.sem_alloc : memref<!tpu.dma_semaphore, #tpu.memory_space<semaphore_mem>>
      %dma_start3A_97 = arith.constant 0 : i32
      %dma_start3A_98 = tpu.memref_slice %arg11[%add3A_16, %dma_start3A_97] : memref<16384x128xf32, #tpu.memory_space<hbm>> -> memref<256x128xf32, #tpu.memory_space<hbm>>
      %dma_start3A_99 = arith.constant 0 : i32
      %dma_start3A_100 = tpu.memref_slice %arg11[%add3A_16, %dma_start3A_99] : memref<16384x128xf32, #tpu.memory_space<hbm>> -> memref<256x128xf32, #tpu.memory_space<hbm>>
      tpu.enqueue_dma source(%arg14 : memref<256x128xf32, #tpu.memory_space<vmem>>) target(%dma_start3A_100 : memref<256x128xf32, #tpu.memory_space<hbm>>) target_semaphore(%run_scoped3A : memref<!tpu.dma_semaphore, #tpu.memory_space<semaphore_mem>>)
      %dma_wait3A_101 = arith.constant 0 : i32
      %dma_wait3A_102 = tpu.memref_slice %arg11[%add3A_16, %dma_wait3A_101] : memref<16384x128xf32, #tpu.memory_space<hbm>> -> memref<256x128xf32, #tpu.memory_space<hbm>>
      %dma_wait3A_103 = arith.constant 0 : i32
      %dma_wait3A_104 = tpu.memref_slice %arg11[%add3A_16, %dma_wait3A_103] : memref<16384x128xf32, #tpu.memory_space<hbm>> -> memref<256x128xf32, #tpu.memory_space<hbm>>
      tpu.wait_dma2 semaphore(%run_scoped3A : memref<!tpu.dma_semaphore, #tpu.memory_space<semaphore_mem>>) src(%arg14 : memref<256x128xf32, #tpu.memory_space<vmem>>) dst(%dma_wait3A_104 : memref<256x128xf32, #tpu.memory_space<hbm>>)
      tpu.yield
    }) : () -> ()
    %dma_wait3A_92 = arith.constant 256 : i32
    %dma_wait3A_93 = tpu.memref_slice %arg13[%dma_wait3A_92] : memref<512xi32, #tpu.memory_space<vmem>> -> memref<256xi32, #tpu.memory_space<vmem>>
    %dma_wait3A_94 = arith.constant 0 : i32
    %dma_wait3A_95 = arith.constant 0 : i32
    %dma_wait3A_96 = tpu.memref_slice %arg7[%dma_wait3A_94, %dma_wait3A_95] : memref<100000x128xf32, #tpu.memory_space<hbm>> -> memref<100000x128xf32, #tpu.memory_space<hbm>>
    tpu.wait_indirect_dma semaphore(%arg17 : memref<!tpu.dma_semaphore, #tpu.memory_space<semaphore_mem>>) src(%dma_wait3A_96 : memref<100000x128xf32, #tpu.memory_space<hbm>>) dst(%arg15 : memref<256x128xf32, #tpu.memory_space<vmem>>)
    "tpu.region"() ({
      %run_scoped3A = tpu.sem_alloc : memref<!tpu.dma_semaphore, #tpu.memory_space<semaphore_mem>>
      %dma_start3A_97 = arith.constant 0 : i32
      %dma_start3A_98 = tpu.memref_slice %arg11[%add3A_18, %dma_start3A_97] : memref<16384x128xf32, #tpu.memory_space<hbm>> -> memref<256x128xf32, #tpu.memory_space<hbm>>
      %dma_start3A_99 = arith.constant 0 : i32
      %dma_start3A_100 = tpu.memref_slice %arg11[%add3A_18, %dma_start3A_99] : memref<16384x128xf32, #tpu.memory_space<hbm>> -> memref<256x128xf32, #tpu.memory_space<hbm>>
      tpu.enqueue_dma source(%arg15 : memref<256x128xf32, #tpu.memory_space<vmem>>) target(%dma_start3A_100 : memref<256x128xf32, #tpu.memory_space<hbm>>) target_semaphore(%run_scoped3A : memref<!tpu.dma_semaphore, #tpu.memory_space<semaphore_mem>>)
      %dma_wait3A_101 = arith.constant 0 : i32
      %dma_wait3A_102 = tpu.memref_slice %arg11[%add3A_18, %dma_wait3A_101] : memref<16384x128xf32, #tpu.memory_space<hbm>> -> memref<256x128xf32, #tpu.memory_space<hbm>>
      %dma_wait3A_103 = arith.constant 0 : i32
      %dma_wait3A_104 = tpu.memref_slice %arg11[%add3A_18, %dma_wait3A_103] : memref<16384x128xf32, #tpu.memory_space<hbm>> -> memref<256x128xf32, #tpu.memory_space<hbm>>
      tpu.wait_dma2 semaphore(%run_scoped3A : memref<!tpu.dma_semaphore, #tpu.memory_space<semaphore_mem>>) src(%arg15 : memref<256x128xf32, #tpu.memory_space<vmem>>) dst(%dma_wait3A_104 : memref<256x128xf32, #tpu.memory_space<hbm>>)
      tpu.yield
    }) : () -> ()
    return
  }
}

module attributes {stable_mosaic.version = 14 : i64} {
  func.func @_mlp_body(%arg0: i32, %arg1: memref<1024x128xf32, #tpu.memory_space<vmem>>, %arg2: memref<1024x128xf32, #tpu.memory_space<vmem>>, %arg3: memref<1024x128xf32, #tpu.memory_space<vmem>>, %arg4: memref<1024x128xf32, #tpu.memory_space<vmem>>, %arg5: memref<30x32xf32, #tpu.memory_space<vmem>>, %arg6: memref<30x32xf32, #tpu.memory_space<vmem>>, %arg7: memref<1x32xf32, #tpu.memory_space<vmem>>, %arg8: memref<32x16xf32, #tpu.memory_space<vmem>>, %arg9: memref<1x16xf32, #tpu.memory_space<vmem>>, %arg10: memref<16x8xf32, #tpu.memory_space<vmem>>, %arg11: memref<1x8xf32, #tpu.memory_space<vmem>>, %arg12: memref<8x1xf32, #tpu.memory_space<vmem>>, %arg13: memref<30x1xf32, #tpu.memory_space<vmem>>, %arg14: memref<1x1xf32, #tpu.memory_space<vmem>>, %arg15: memref<1024x1xf32, #tpu.memory_space<vmem>>) attributes {dimension_semantics = [#tpu.dimension_semantics<arbitrary>], iteration_bounds = array<i64: 16>, scalar_prefetch = 0 : i64, scratch_operands = 0 : i64, tpu.core_type = #tpu.core_type<tc>, window_params = [{transform_indices = @transform_0, window_bounds = array<i64: 1024, 128>}, {transform_indices = @transform_1, window_bounds = array<i64: 1024, 128>}, {transform_indices = @transform_2, window_bounds = array<i64: 1024, 128>}, {transform_indices = @transform_3, window_bounds = array<i64: 1024, 128>}, {pipeline_mode = #tpu.pipeline_mode<synchronous>, transform_indices = @transform_4, window_bounds = array<i64: 30, 32>}, {pipeline_mode = #tpu.pipeline_mode<synchronous>, transform_indices = @transform_5, window_bounds = array<i64: 30, 32>}, {pipeline_mode = #tpu.pipeline_mode<synchronous>, transform_indices = @transform_6, window_bounds = array<i64: 1, 32>}, {pipeline_mode = #tpu.pipeline_mode<synchronous>, transform_indices = @transform_7, window_bounds = array<i64: 32, 16>}, {pipeline_mode = #tpu.pipeline_mode<synchronous>, transform_indices = @transform_8, window_bounds = array<i64: 1, 16>}, {pipeline_mode = #tpu.pipeline_mode<synchronous>, transform_indices = @transform_9, window_bounds = array<i64: 16, 8>}, {pipeline_mode = #tpu.pipeline_mode<synchronous>, transform_indices = @transform_10, window_bounds = array<i64: 1, 8>}, {pipeline_mode = #tpu.pipeline_mode<synchronous>, transform_indices = @transform_11, window_bounds = array<i64: 8, 1>}, {pipeline_mode = #tpu.pipeline_mode<synchronous>, transform_indices = @transform_12, window_bounds = array<i64: 30, 1>}, {pipeline_mode = #tpu.pipeline_mode<synchronous>, transform_indices = @transform_13, window_bounds = array<i64: 1, 1>}, {transform_indices = @transform_14, window_bounds = array<i64: 1024, 1>}]} {
    %get3A = arith.constant 0 : index
    %get3A_0 = arith.constant 0 : index
    %get3A_1 = vector.load %arg1[%get3A, %get3A_0] : memref<1024x128xf32, #tpu.memory_space<vmem>>, vector<1024x30xf32>
    %get3A_2 = arith.constant 0 : index
    %get3A_3 = arith.constant 0 : index
    %get3A_4 = vector.load %arg2[%get3A_2, %get3A_3] : memref<1024x128xf32, #tpu.memory_space<vmem>>, vector<1024x30xf32>
    %get3A_5 = arith.constant 0 : index
    %get3A_6 = arith.constant 0 : index
    %get3A_7 = vector.load %arg3[%get3A_5, %get3A_6] : memref<1024x128xf32, #tpu.memory_space<vmem>>, vector<1024x30xf32>
    %get3A_8 = arith.constant 0 : index
    %get3A_9 = arith.constant 0 : index
    %get3A_10 = vector.load %arg4[%get3A_8, %get3A_9] : memref<1024x128xf32, #tpu.memory_space<vmem>>, vector<1024x30xf32>
    %get3A_11 = arith.constant 0 : index
    %get3A_12 = arith.constant 0 : index
    %get3A_13 = vector.load %arg5[%get3A_11, %get3A_12] : memref<30x32xf32, #tpu.memory_space<vmem>>, vector<30x32xf32>
    %dot_general3A = arith.constant dense<0.000000e+00> : vector<1024x32xf32>
    %dot_general3A_14 = tpu.matmul %get3A_1, %get3A_13, %dot_general3A {dimension_numbers = #tpu.dot_dimension_numbers<[1], [0], [0], [1], [0, 0, 1, 1], [], []>, transpose_lhs_hint = false} : vector<1024x30xf32>, vector<30x32xf32>, vector<1024x32xf32> -> vector<1024x32xf32>
    %get3A_15 = arith.constant 0 : index
    %get3A_16 = arith.constant 0 : index
    %get3A_17 = vector.load %arg6[%get3A_15, %get3A_16] : memref<30x32xf32, #tpu.memory_space<vmem>>, vector<30x32xf32>
    %dot_general3A_18 = arith.constant dense<0.000000e+00> : vector<1024x32xf32>
    %dot_general3A_19 = tpu.matmul %get3A_4, %get3A_17, %dot_general3A_18 {dimension_numbers = #tpu.dot_dimension_numbers<[1], [0], [0], [1], [0, 0, 1, 1], [], []>, transpose_lhs_hint = false} : vector<1024x30xf32>, vector<30x32xf32>, vector<1024x32xf32> -> vector<1024x32xf32>
    %add3A = arith.addf %dot_general3A_14, %dot_general3A_19 : vector<1024x32xf32>
    %get3A_20 = arith.constant 0 : index
    %get3A_21 = arith.constant 0 : index
    %get3A_22 = vector.load %arg7[%get3A_20, %get3A_21] : memref<1x32xf32, #tpu.memory_space<vmem>>, vector<1x32xf32>
    %add3A_23 = vector.broadcast %get3A_22 : vector<1x32xf32> to vector<1024x32xf32>
    %add3A_24 = arith.addf %add3A, %add3A_23 : vector<1024x32xf32>
    %max3A = arith.constant 0.000000e+00 : f32
    %max3A_25 = vector.broadcast %max3A : f32 to vector<1024x32xf32>
    %max3A_26 = arith.maximumf %add3A_24, %max3A_25 : vector<1024x32xf32>
    %get3A_27 = arith.constant 0 : index
    %get3A_28 = arith.constant 0 : index
    %get3A_29 = vector.load %arg8[%get3A_27, %get3A_28] : memref<32x16xf32, #tpu.memory_space<vmem>>, vector<32x16xf32>
    %dot_general3A_30 = arith.constant dense<0.000000e+00> : vector<1024x16xf32>
    %dot_general3A_31 = tpu.matmul %max3A_26, %get3A_29, %dot_general3A_30 {dimension_numbers = #tpu.dot_dimension_numbers<[1], [0], [0], [1], [0, 0, 1, 1], [], []>, transpose_lhs_hint = false} : vector<1024x32xf32>, vector<32x16xf32>, vector<1024x16xf32> -> vector<1024x16xf32>
    %get3A_32 = arith.constant 0 : index
    %get3A_33 = arith.constant 0 : index
    %get3A_34 = vector.load %arg9[%get3A_32, %get3A_33] : memref<1x16xf32, #tpu.memory_space<vmem>>, vector<1x16xf32>
    %add3A_35 = vector.broadcast %get3A_34 : vector<1x16xf32> to vector<1024x16xf32>
    %add3A_36 = arith.addf %dot_general3A_31, %add3A_35 : vector<1024x16xf32>
    %max3A_37 = arith.constant 0.000000e+00 : f32
    %max3A_38 = vector.broadcast %max3A_37 : f32 to vector<1024x16xf32>
    %max3A_39 = arith.maximumf %add3A_36, %max3A_38 : vector<1024x16xf32>
    %get3A_40 = arith.constant 0 : index
    %get3A_41 = arith.constant 0 : index
    %get3A_42 = vector.load %arg10[%get3A_40, %get3A_41] : memref<16x8xf32, #tpu.memory_space<vmem>>, vector<16x8xf32>
    %dot_general3A_43 = arith.constant dense<0.000000e+00> : vector<1024x8xf32>
    %dot_general3A_44 = tpu.matmul %max3A_39, %get3A_42, %dot_general3A_43 {dimension_numbers = #tpu.dot_dimension_numbers<[1], [0], [0], [1], [0, 0, 1, 1], [], []>, transpose_lhs_hint = false} : vector<1024x16xf32>, vector<16x8xf32>, vector<1024x8xf32> -> vector<1024x8xf32>
    %get3A_45 = arith.constant 0 : index
    %get3A_46 = arith.constant 0 : index
    %get3A_47 = vector.load %arg11[%get3A_45, %get3A_46] : memref<1x8xf32, #tpu.memory_space<vmem>>, vector<1x8xf32>
    %add3A_48 = vector.broadcast %get3A_47 : vector<1x8xf32> to vector<1024x8xf32>
    %add3A_49 = arith.addf %dot_general3A_44, %add3A_48 : vector<1024x8xf32>
    %max3A_50 = arith.constant 0.000000e+00 : f32
    %max3A_51 = vector.broadcast %max3A_50 : f32 to vector<1024x8xf32>
    %max3A_52 = arith.maximumf %add3A_49, %max3A_51 : vector<1024x8xf32>
    %mul3A = arith.mulf %get3A_7, %get3A_10 : vector<1024x30xf32>
    %get3A_53 = arith.constant 0 : index
    %get3A_54 = arith.constant 0 : index
    %get3A_55 = vector.load %arg12[%get3A_53, %get3A_54] : memref<8x1xf32, #tpu.memory_space<vmem>>, vector<8x1xf32>
    %dot_general3A_56 = arith.constant dense<0.000000e+00> : vector<1024x1xf32>
    %dot_general3A_57 = tpu.matmul %max3A_52, %get3A_55, %dot_general3A_56 {dimension_numbers = #tpu.dot_dimension_numbers<[1], [0], [0], [1], [0, 0, 1, 1], [], []>, transpose_lhs_hint = false} : vector<1024x8xf32>, vector<8x1xf32>, vector<1024x1xf32> -> vector<1024x1xf32>
    %get3A_58 = arith.constant 0 : index
    %get3A_59 = arith.constant 0 : index
    %get3A_60 = vector.load %arg13[%get3A_58, %get3A_59] : memref<30x1xf32, #tpu.memory_space<vmem>>, vector<30x1xf32>
    %dot_general3A_61 = arith.constant dense<0.000000e+00> : vector<1024x1xf32>
    %dot_general3A_62 = tpu.matmul %mul3A, %get3A_60, %dot_general3A_61 {dimension_numbers = #tpu.dot_dimension_numbers<[1], [0], [0], [1], [0, 0, 1, 1], [], []>, transpose_lhs_hint = false} : vector<1024x30xf32>, vector<30x1xf32>, vector<1024x1xf32> -> vector<1024x1xf32>
    %add3A_63 = arith.addf %dot_general3A_57, %dot_general3A_62 : vector<1024x1xf32>
    %get3A_64 = arith.constant 0 : index
    %get3A_65 = arith.constant 0 : index
    %get3A_66 = vector.load %arg14[%get3A_64, %get3A_65] : memref<1x1xf32, #tpu.memory_space<vmem>>, vector<1x1xf32>
    %get3A_67 = vector.extract %get3A_66[0, 0] : f32 from vector<1x1xf32>
    %add3A_68 = vector.broadcast %get3A_67 : f32 to vector<1024x1xf32>
    %add3A_69 = arith.addf %add3A_63, %add3A_68 : vector<1024x1xf32>
    %mul3A_70 = arith.constant 5.000000e+00 : f32
    %mul3A_71 = vector.broadcast %mul3A_70 : f32 to vector<1024x1xf32>
    %mul3A_72 = arith.mulf %add3A_69, %mul3A_71 : vector<1024x1xf32>
    %swap3A = arith.constant 0 : index
    %swap3A_73 = arith.constant 0 : index
    %swap3A_74 = vector.load %arg15[%swap3A, %swap3A_73] : memref<1024x1xf32, #tpu.memory_space<vmem>>, vector<1024x1xf32>
    tpu.vector_store %arg15[%swap3A, %swap3A_73], %mul3A_72 {strides = array<i32>} : memref<1024x1xf32, #tpu.memory_space<vmem>>, vector<1024x1xf32>,
    return
  }
  func.func @transform_0(%arg0: i32) -> (i32, i32) {
    %c0_i32 = arith.constant 0 : i32
    %c0_i32_0 = arith.constant 0 : i32
    return %arg0, %c0_i32 : i32, i32
  }
  func.func @transform_1(%arg0: i32) -> (i32, i32) {
    %c0_i32 = arith.constant 0 : i32
    %c0_i32_0 = arith.constant 0 : i32
    return %arg0, %c0_i32 : i32, i32
  }
  func.func @transform_2(%arg0: i32) -> (i32, i32) {
    %c0_i32 = arith.constant 0 : i32
    %c0_i32_0 = arith.constant 0 : i32
    return %arg0, %c0_i32 : i32, i32
  }
  func.func @transform_3(%arg0: i32) -> (i32, i32) {
    %c0_i32 = arith.constant 0 : i32
    %c0_i32_0 = arith.constant 0 : i32
    return %arg0, %c0_i32 : i32, i32
  }
  func.func @transform_4(%arg0: i32) -> (i32, i32) {
    %c0_i32 = arith.constant 0 : i32
    %c0_i32_0 = arith.constant 0 : i32
    %c0_i32_1 = arith.constant 0 : i32
    return %c0_i32, %c0_i32_0 : i32, i32
  }
  func.func @transform_5(%arg0: i32) -> (i32, i32) {
    %c0_i32 = arith.constant 0 : i32
    %c0_i32_0 = arith.constant 0 : i32
    %c0_i32_1 = arith.constant 0 : i32
    return %c0_i32, %c0_i32_0 : i32, i32
  }
  func.func @transform_6(%arg0: i32) -> (i32, i32) {
    %c0_i32 = arith.constant 0 : i32
    %c0_i32_0 = arith.constant 0 : i32
    %c0_i32_1 = arith.constant 0 : i32
    return %c0_i32, %c0_i32_0 : i32, i32
  }
  func.func @transform_7(%arg0: i32) -> (i32, i32) {
    %c0_i32 = arith.constant 0 : i32
    %c0_i32_0 = arith.constant 0 : i32
    %c0_i32_1 = arith.constant 0 : i32
    return %c0_i32, %c0_i32_0 : i32, i32
  }
  func.func @transform_8(%arg0: i32) -> (i32, i32) {
    %c0_i32 = arith.constant 0 : i32
    %c0_i32_0 = arith.constant 0 : i32
    %c0_i32_1 = arith.constant 0 : i32
    return %c0_i32, %c0_i32_0 : i32, i32
  }
  func.func @transform_9(%arg0: i32) -> (i32, i32) {
    %c0_i32 = arith.constant 0 : i32
    %c0_i32_0 = arith.constant 0 : i32
    %c0_i32_1 = arith.constant 0 : i32
    return %c0_i32, %c0_i32_0 : i32, i32
  }
  func.func @transform_10(%arg0: i32) -> (i32, i32) {
    %c0_i32 = arith.constant 0 : i32
    %c0_i32_0 = arith.constant 0 : i32
    %c0_i32_1 = arith.constant 0 : i32
    return %c0_i32, %c0_i32_0 : i32, i32
  }
  func.func @transform_11(%arg0: i32) -> (i32, i32) {
    %c0_i32 = arith.constant 0 : i32
    %c0_i32_0 = arith.constant 0 : i32
    %c0_i32_1 = arith.constant 0 : i32
    return %c0_i32, %c0_i32_0 : i32, i32
  }
  func.func @transform_12(%arg0: i32) -> (i32, i32) {
    %c0_i32 = arith.constant 0 : i32
    %c0_i32_0 = arith.constant 0 : i32
    %c0_i32_1 = arith.constant 0 : i32
    return %c0_i32, %c0_i32_0 : i32, i32
  }
  func.func @transform_13(%arg0: i32) -> (i32, i32) {
    %c0_i32 = arith.constant 0 : i32
    %c0_i32_0 = arith.constant 0 : i32
    %c0_i32_1 = arith.constant 0 : i32
    return %c0_i32, %c0_i32_0 : i32, i32
  }
  func.func @transform_14(%arg0: i32) -> (i32, i32) {
    %c0_i32 = arith.constant 0 : i32
    %c0_i32_0 = arith.constant 0 : i32
    return %arg0, %c0_i32 : i32, i32
  }
}

</mosaic_0001>

<sc_bundles>
// kernel: kernel.4.cloned.1.call-start
scs
__scs_entry_jumppad:
0x0: {  	(pc) =	sbr.rel $0x88, $3  }
0x1: {  	(tag) =	ssettag $0x0;
	lr =	simm.s32 $0x1  }
0x2: {  	[smem:$0x3F94] =	sst lr;
	_ =	strace $0xD0000000  }
0x3: {  	_ = 	snop  }
0x4: {  	_ = 	snop  }
0x5: {  	_ = 	snop  }
0x6: {  	_ = 	snop  }
0x7: {  	_ = 	snop  }
__scs_overlays_trampoline_lowered:
0x8: {  	[smem:$0x3FA3] =	sst s0  }
0x9: {  	[smem:$0x3FA4] =	sst s1  }
0xa: {  	[smem:$0x3FA5] =	sst s2  }
0xb: {  	[smem:$0x3FA6] =	sst s3  }
0xc: {  	[smem:$0x3FA7] =	sst s4  }
0xd: {  	[smem:$0x3FA8] =	sst s5  }
0xe: {  	[smem:$0x3FA9] =	sst s6  }
0xf: {  	[smem:$0x3FAA] =	sst s7  }
0x10: {  	[smem:$0x3FAB] =	sst s8  }
0x11: {  	[smem:$0x3FAC] =	sst s9;
	s0 =	simm.s32 @!p0 $0x0  }
0x12: {  	s1 =	sld [smem:$0x3F92];
	s0 =	simm.s32 @p0 $0x1  }
0x13: {  	[smem:$0x3FAD] =	sst s0;
	s0 =	simm.s32 @!p1 $0x0  }
0x14: {  	s2 =	sld [smem:$0x3F91];
	s0 =	simm.s32 @p1 $0x1  }
0x15: {  	[smem:$0x3FAE] =	sst s0;
	s0 =	simm.s32 @!p2 $0x0  }
0x16: {  	s3 =	sld [smem:$0x3FDB];
	s0 =	simm.s32 @p2 $0x1  }
0x17: {  	s4 =	simm.s32 $0x1BF5;
	[smem:$0x3FB0] =	sst s0  }
0x18: {  	s0 =	sld [smem:$0x3F93];
	_ =	swait.ge [sflag:s4], $0x0  }
0x19: {  	s7 =	sld [smem:$0x3F94]  }
0x1a: {  	s8 =	sadd.s32 $0xFFFFE003, lr  }
0x1b: {  	s9 =	sadd.s32 $0xFFFFFEF7, lr;
	s5 =	simm.s32 $0xFFFFFFFF;
	p2 =	slt.u32 s8, $0xFFFFF086  }
0x1c: {  	p1 =	slt.u32 s9, $0xF7A;
	s5 =	simm.s32 @!p2 $0x0  }
0x1d: {  	s5 =	simm.s32 @p1 $0x1;
	p0 =	seq.s32 s7, s2  }
0x1e: {  	s7 =	smul.u32 @!p0 $0xF7A, s2;
	p2 =	seq.s32 @!p0 s5, $0x0  }
0x1f: {  	s9 =	smul.u32 $0xF7A, s1;
	s8 =	simm.s32 @!p0 $0x1BF5;
	p2 =	por !p2, p0  }
0x20: {  	[sflag:s8] =	ssyncset.s32 @!p0 $0xFFFFF086;
	s6 =	sadd.s32 @!p0 s3, s7;
	s7 =	simm.s32 @!p0 $0x108  }
0x21: {  	s3 =	sadd.s32 s3, s9;
	s6 =	sadd.s32 @!p0 $0x88, s6;
	s7 =	simm.s32 @p2 $0x1082  }
0x22: {  	[simem:s7], [sflag:s8] =	dma.local @!p0 [hbm:s6], $0xF7A  }
0x23: {  	s9 =	sor.u32 $0xD0000000, s2;
	s6 =	simm.s32 $0x108;
	_ =	swait.ge @!p0 [sflag:s8], $0x0  }
0x24: {  	s3 =	sadd.s32 $0x88, s3;
	s6 =	simm.s32 @!p1 $0x1082;
	[sflag:s4] =	ssyncset.s32 $0xFFFFF086  }
0x25: {  	[simem:s6], [sflag:s4] =	dma.local [hbm:s3], $0xF7A  }
0x26: {  	[smem:$0x3F94] =	sst s1;
	(tag) =	ssettag s2;
	_ =	strace s9  }
0x27: {  	s1 =	sld [smem:$0x3FA4]  }
0x28: {  	s2 =	sld [smem:$0x3FA5]  }
0x29: {  	s4 =	sld [smem:$0x3FA7]  }
0x2a: {  	p0 =	seq.s32 s5, $0x0;
	s5 =	sld [smem:$0x3FA8]  }
0x2b: {  	s6 =	sld [smem:$0x3FA9]  }
0x2c: {  	s7 =	sld [smem:$0x3FAA]  }
0x2d: {  	s3 =	simm.s32 $0x108;
	s8 =	sld [smem:$0x3FAB]  }
0x2e: {  	s3 =	simm.s32 @!p0 $0x1082;
	s9 =	sld [smem:$0x3FAC]  }
0x2f: {  	lr =	sadd.s32 s0, s3;
	s0 =	sld [smem:$0x3FA3]  }
0x30: {  	s3 =	sld [smem:$0x3FA6]  }
0x31: {  	[smem:$0x3FAF] =	sst s10  }
0x32: {  	s10 =	sld [smem:$0x3FAD];
	_ =	sdelay $0x3  }
0x33: {  	p0 =	seq.s32 s10, $0x1;
	s10 =	sld [smem:$0x3FAF];
	_ =	sdelay $0x3  }
0x34: {  	[smem:$0x3FAF] =	sst s10  }
0x35: {  	s10 =	sld [smem:$0x3FAE];
	_ =	sdelay $0x3  }
0x36: {  	p1 =	seq.s32 s10, $0x1;
	s10 =	sld [smem:$0x3FAF];
	_ =	sdelay $0x3  }
0x37: {  	[smem:$0x3FAF] =	sst s10  }
0x38: {  	s10 =	sld [smem:$0x3FB0]  }
0x39: {  	_ = 	snop;
	(pc) =	sbr.ind lr, $3  }
0x3a: {  	_ = 	snop  }
0x3b: {  	_ = 	snop  }
0x3c: {  	p2 =	seq.s32 s10, $0x1;
	s10 =	sld [smem:$0x3FAF]  }
0x3d: {  	_ =	shalt  }
0x3e: {  	_ =	shalt  }
0x3f: {  	_ =	shalt  }
0x40: {  	_ =	shalt  }
0x41: {  	_ =	shalt  }
0x42: {  	_ =	shalt  }
0x43: {  	_ =	shalt  }
0x44: {  	_ =	shalt  }
0x45: {  	_ =	shalt  }
0x46: {  	_ =	shalt  }
0x47: {  	_ =	shalt  }
0x48: {  	_ =	shalt  }
0x49: {  	_ =	shalt  }
0x4a: {  	_ =	shalt  }
0x4b: {  	_ =	shalt  }
0x4c: {  	_ =	shalt  }
0x4d: {  	_ =	shalt  }
0x4e: {  	_ =	shalt  }
0x4f: {  	_ =	shalt  }
0x50: {  	_ =	shalt  }
0x51: {  	_ =	shalt  }
0x52: {  	_ =	shalt  }
0x53: {  	_ =	shalt  }
0x54: {  	_ =	shalt  }
0x55: {  	_ =	shalt  }
0x56: {  	_ =	shalt  }
0x57: {  	_ =	shalt  }
0x58: {  	_ =	shalt  }
0x59: {  	_ =	shalt  }
0x5a: {  	_ =	shalt  }
0x5b: {  	_ =	shalt  }
0x5c: {  	_ =	shalt  }
0x5d: {  	_ =	shalt  }
0x5e: {  	_ =	shalt  }
0x5f: {  	_ =	shalt  }
0x60: {  	_ =	shalt  }
0x61: {  	_ =	shalt  }
0x62: {  	_ =	shalt  }
0x63: {  	_ =	shalt  }
0x64: {  	_ =	shalt  }
0x65: {  	_ =	shalt  }
0x66: {  	_ =	shalt  }
0x67: {  	_ =	shalt  }
0x68: {  	_ =	shalt  }
0x69: {  	_ =	shalt  }
0x6a: {  	_ =	shalt  }
0x6b: {  	_ =	shalt  }
0x6c: {  	_ =	shalt  }
0x6d: {  	_ =	shalt  }
0x6e: {  	_ =	shalt  }
0x6f: {  	_ =	shalt  }
0x70: {  	_ =	shalt  }
0x71: {  	_ =	shalt  }
0x72: {  	_ =	shalt  }
0x73: {  	_ =	shalt  }
0x74: {  	_ =	shalt  }
0x75: {  	_ =	shalt  }
0x76: {  	_ =	shalt  }
0x77: {  	_ =	shalt  }
0x78: {  	_ =	shalt  }
0x79: {  	_ =	shalt  }
0x7a: {  	_ =	shalt  }
0x7b: {  	_ =	shalt  }
0x7c: {  	_ =	shalt  }
0x7d: {  	_ =	shalt  }
0x7e: {  	_ =	shalt  }
0x7f: {  	_ =	shalt  }
0x80: {  	_ =	shalt  }
0x81: {  	_ =	shalt  }
0x82: {  	_ =	shalt  }
0x83: {  	_ =	shalt  }
0x84: {  	_ =	shalt  }
0x85: {  	_ =	shalt  }
0x86: {  	_ =	shalt  }
0x87: {  	_ =	shalt  }
.Lfunc_end0:
.L_simem_size_0:
called_computation_lowered:
.L_overlay_start_0:
0x88: {  	s2 =	sld [smem:$0x3FD9]  }
0x89: {  	s3 =	sld [smem:$0x3FFE];
	_ =	sdelay $0x1  }
0x8a: {  	s1 =	srdreg.scid  }
0x8b: {  	s0 =	sand.u32 $0x1, s1  }
0x8c: {  	s17 =	sshll.u32 s0, $0xA;
	s2 =	sadd.s32 s3, s2  }
0x8d: {  	s2 =	sadd.s32 s2, s17  }
0x8e: {  	[smem:$0x3FBB] =	sst s2  }
0x8f: {  	_ = 	snop  }
0x90: {  	s2 =	sld [smem:$0x3FD0];
	(tm) =	ssettm $0x1  }
0x91: {  	s18 =	sld [smem:$0x3FFB];
	_ =	sdelay $0x3  }
0x92: {  	_ =	strace s18  }
0x93: {  	s3 =	sld [smem:$0x3FFC];
	_ =	sdelay $0x3  }
0x94: {  	_ =	strace s3  }
0x95: {  	s3 =	sld [smem:$0x3FFD];
	_ =	sdelay $0x3  }
0x96: {  	_ =	strace s3  }
0x97: {  	_ =	strace $0x8FFFFFFF  }
0x98: {  	s19 =	sld [smem:$0x3FDB];
	_ =	sdelay $0x1  }
0x99: {  	s4 =	simm.s32 $_scs_section_size  }
0x9a: {  	s5 =	simm.s32 $_size__tile_overlayer_lowered;
	s6 =	simm.s32 $_tile_overlayer_lowered  }
0x9b: {  	s22 =	simm.s32 $0x1BFF;
	s21 =	sshll.u32 s6, $0x1;
	s3 =	sadd.s32 s4, s19  }
0x9c: {  	s7 =	simm.s32 $0x0;
	s20 =	sshll.u32 s5, $0x1;
	s5 =	sadd.s32 s21, s3  }
0x9d: {  	[timem:s7], [sflag:s22] =	dma.local [hbm:s5], s20  }
0x9e: {  	_ =	swait.ge [sflag:s22], s20  }
0x9f: {  	s4 =	ssub.s32 $0x0, s20;
	[sflag:s22] =	ssyncset.done $0x0  }
0xa0: {  	[sflag:s22] =	ssyncadd.s32 s4;
	_ =	sdelay $0x1  }
0xa1: {  	s23 =	simm.s32 $0x1B8B  }
0xa2: {  	_ =	swait.ge [sflag:s23], $0x1  }
0xa3: {  	[sflag:s23] =	ssyncset.done $0x0  }
0xa4: {  	s25 =	simm.s32 $0x1B8E;
	s24 =	sld [smem:$0x3FFE];
	[sflag:s23] =	ssyncadd.s32 $0xFFFFFFFF  }
0xa5: {  	s26 =	simm.s32 $execute0_lowered;
	[smem:$0x3FD2] =	sst s25  }
0xa6: {  	s5 =	sshll.u32 s26, $0x1;
	_ =	strace $0x80000046;
	[dreg:$0x1] =	wrdreg $0xFFFFFFFF  }
0xa7: {  	s28 =	simm.s32 $_size_execute0_lowered;
	s3 =	sadd.s32 s3, s5;
	[dreg:$0x0] =	wrdreg $0x0  }
0xa8: {  	s5 =	sshll.u32 s28, $0x1;
	[dreg:$0x2] =	wrdreg s3  }
0xa9: {  	[dreg:$0x3] =	wrdreg s5  }
0xaa: {  	[dreg:$0x4] =	wrdreg $0xC0  }
0xab: {  	_ =	task [dreg:s7], $0x5FFFF  }
0xac: {  	[dreg:$0x1] =	wrdreg $0xFFFFFFFF  }
0xad: {  	[dreg:$0x0] =	wrdreg $0x60  }
0xae: {  	[dreg:$0x2] =	wrdreg s24  }
0xaf: {  	[dreg:$0x3] =	wrdreg s2  }
0xb0: {  	[dreg:$0x4] =	wrdreg $0x9  }
0xb1: {  	_ =	task.clear_ibuf [dreg:s7], $0x5FFFF;
	_ =	strace $0x90000046  }
0xb2: {  	s29 =	simm.s32 $0x9;
	_ =	strace $0x80000048  }
0xb3: {  	_ =	swait.ge [sflag:s29], $0x1  }
0xb4: {  	[sflag:s29] =	ssyncadd.s32 $0xFFFFFFFF  }
0xb5: {  	_ =	strace $0x90000048  }
0xb6: {  	_ =	sfence  }
0xb7: {  	s30 =	sld [smem:$0x0];
	_ =	sdelay $0x2  }
0xb8: {  	s31 =	sshll.u32 s1, $0xD;
	s1 =	sshrl.u32 s1, $0x2  }
0xb9: {  	s3 =	sand.u32 $0x4000, s31;
	s1 =	sadd.s32 s1, s30  }
0xba: {  	s0 =	sor.u32 s3, s0;
	s1 =	sshll.u32 s1, $0x11  }
0xbb: {  	s0 =	sor.u32 s1, s0  }
0xbc: {  	s0 =	sadd.s32 $0x8F2B, s0  }
0xbd: {  	[sflag:s0] =	ssyncadd.remote.s32 $0x1  }
0xbe: {  	_ =	sfence.sel $0xFFFF  }
0xbf: {  	[dreg:$0x0] =	wrdreg $0xFFFFFFFF;
	(pc) =	sbr.abs _section_cstart, $3  }
0xc0: {  	[dreg:$0x1] =	wrdreg $0xFFFFFFFF  }
0xc1: {  	_ =	task.clear_ibuf [dreg:s7], $0x2FFFF;
	_ =	strace $0x9FFFFFFF  }
0xc2: {  	(tm) =	ssettm $0x7FFFFFFF  }
0xc3: {  	_ =	shalt  }
tec
execute0_lowered:
.L_overlay_start_1:
0x0: {  	(tag) =	ssettag $0x1  }
0x1: {  	s1 =	srdreg.scid  }
0x2: {  	s0 =	stileid.u32;
	s24 =	sand.u32 $0x1, s1  }
0x3: {  	s23 =	rddreg [dreg:$0x0];
	s30 =	sshll.u32 s0, $0xA;
	s2 =	sshll.u32 s24, $0x9  }
0x4: {  	s5 =	rddreg [dreg:$0x1];
	s12 =	sor.u32 s2, s30  }
0x5: {  	s1 =	rddreg [dreg:$0x2];
	s2 =	simm.s32 $0x0;
	s6 =	sshrl.u32 s12, $0x3  }
0x6: {  	[smem:$0x7FF] =	sst s2;
	s3 =	sadd.s32 s6, s23  }
0x7: {  	_ =	strace $0x80000047;
	s4 =	sadd.s32 $0x3A00, s3;
	s3 =	simm.s32 $0x3  }
0x8: {  	[tilespmem:s2], [sflag:$0x3] =	stream.linear.gather [hbm4b:s4+s2], $0x200, $0x38;
	[tilespmem:$0x10400] =	vst v63  }
0x9: {  	_ =	swait.ge [sflag:s3], $0x200  }
0xa: {  	[sflag:s3] =	ssyncset.done $0x0  }
0xb: {  	s5 =	sadd.s32 s5, s6;
	s6 =	simm.s32 $0x200;
	[sflag:s3] =	ssyncadd.s32 $0xFFFFFE00  }
0xc: {  	[tilespmem:s6], [sflag:$0x3] =	stream.linear.gather [hbm4b:s5+s2], $0x200, $0x38;
	[tilespmem:$0x10400] =	vst v63  }
0xd: {  	_ =	swait.ge [sflag:s3], $0x200  }
0xe: {  	s8 =	simm.s32 $0x100;
	[sflag:s3] =	ssyncset.done $0x0  }
0xf: {  	s9 =	simm.s32 $0x400;
	s7 =	sadd.s32 $0x61EA00, s23;
	[sflag:s3] =	ssyncadd.s32 $0xFFFFFE00  }
0x10: {  	[tilespmem:s9], [sflag:$0x1] =	stream.indirect.gather [hbm4b:s7+s8], $0x80, s2, s8, $0xb8;
	[tilespmem:$0x10400] =	vst v63  }
0x11: {  	s10 =	simm.s32 $0x8400;
	s11 =	simm.s32 $0x1  }
0x12: {  	[tilespmem:s10], [sflag:$0x2] =	stream.indirect.gather [hbm4b:s7+s8], $0x80, s8, s8, $0xb8;
	[tilespmem:$0x10400] =	vst v63  }
0x13: {  	_ =	swait.ge [sflag:s11], $0x8000  }
0x14: {  	s15 =	sadd.s32 $0x18AC00, s23;
	s25 =	sshll.u32 s12, $0x4;
	[sflag:s11] =	ssyncset.done $0x0  }
0x15: {  	s12 =	sadd.s32 s15, s25;
	[sflag:s11] =	ssyncadd.s32 $0xFFFF8000  }
0x16: {  	[hbm4b:s12+s2] =	stream.linear.scatter [tilespmem:s9], [sflag:$0x3], $0x8000, $0x38;
	[tilespmem:$0x10400] =	vst v63  }
0x17: {  	_ =	swait.ge [sflag:s3], $0x8000  }
0x18: {  	[sflag:s3] =	ssyncset.done $0x0  }
0x19: {  	s14 =	simm.s32 $0x2;
	s13 =	sadd.s32 $0x498000, s23;
	[sflag:s3] =	ssyncadd.s32 $0xFFFF8000  }
0x1a: {  	[tilespmem:s9], [sflag:$0x1] =	stream.indirect.gather [hbm4b:s13+s8], $0x80, s6, s8, $0xb8;
	[tilespmem:$0x10400] =	vst v63  }
0x1b: {  	_ =	swait.ge [sflag:s14], $0x8000  }
0x1c: {  	s26 =	sor.u32 $0x1000, s25;
	[sflag:s14] =	ssyncset.done $0x0  }
0x1d: {  	s15 =	sadd.s32 s15, s26;
	[sflag:s14] =	ssyncadd.s32 $0xFFFF8000  }
0x1e: {  	[hbm4b:s15+s2] =	stream.linear.scatter [tilespmem:s10], [sflag:$0x3], $0x8000, $0x38;
	[tilespmem:$0x10400] =	vst v63  }
0x1f: {  	_ =	swait.ge [sflag:s3], $0x8000  }
0x20: {  	[sflag:s3] =	ssyncset.done $0x0  }
0x21: {  	s16 =	simm.s32 $0x300;
	[sflag:s3] =	ssyncadd.s32 $0xFFFF8000  }
0x22: {  	[tilespmem:s10], [sflag:$0x2] =	stream.indirect.gather [hbm4b:s13+s8], $0x80, s16, s8, $0xb8;
	[tilespmem:$0x10400] =	vst v63  }
0x23: {  	_ =	swait.ge [sflag:s11], $0x8000  }
0x24: {  	s19 =	sadd.s32 $0x1CAC00, s23;
	[sflag:s11] =	ssyncset.done $0x0  }
0x25: {  	s17 =	sadd.s32 s19, s25;
	[sflag:s11] =	ssyncadd.s32 $0xFFFF8000  }
0x26: {  	[hbm4b:s17+s2] =	stream.linear.scatter [tilespmem:s9], [sflag:$0x3], $0x8000, $0x38;
	[tilespmem:$0x10400] =	vst v63  }
0x27: {  	_ =	swait.ge [sflag:s3], $0x8000  }
0x28: {  	[sflag:s3] =	ssyncset.done $0x0  }
0x29: {  	s18 =	sadd.s32 $0x4200, s23;
	[sflag:s3] =	ssyncadd.s32 $0xFFFF8000  }
0x2a: {  	[tilespmem:s9], [sflag:$0x1] =	stream.indirect.gather [hbm4b:s18+s8], $0x80, s2, s8, $0xb8;
	[tilespmem:$0x10400] =	vst v63  }
0x2b: {  	_ =	swait.ge [sflag:s14], $0x8000  }
0x2c: {  	[sflag:s14] =	ssyncset.done $0x0  }
0x2d: {  	s19 =	sadd.s32 s19, s26;
	[sflag:s14] =	ssyncadd.s32 $0xFFFF8000  }
0x2e: {  	[hbm4b:s19+s2] =	stream.linear.scatter [tilespmem:s10], [sflag:$0x3], $0x8000, $0x38;
	[tilespmem:$0x10400] =	vst v63  }
0x2f: {  	_ =	swait.ge [sflag:s3], $0x8000  }
0x30: {  	[sflag:s3] =	ssyncset.done $0x0  }
0x31: {  	[sflag:s3] =	ssyncadd.s32 $0xFFFF8000  }
0x32: {  	[tilespmem:s10], [sflag:$0x2] =	stream.indirect.gather [hbm4b:s18+s8], $0x80, s8, s8, $0xb8;
	[tilespmem:$0x10400] =	vst v63  }
0x33: {  	_ =	swait.ge [sflag:s11], $0x8000  }
0x34: {  	s22 =	sadd.s32 $0x20AC00, s23;
	[sflag:s11] =	ssyncset.done $0x0  }
0x35: {  	s20 =	sadd.s32 s22, s25;
	[sflag:s11] =	ssyncadd.s32 $0xFFFF8000  }
0x36: {  	[hbm4b:s20+s2] =	stream.linear.scatter [tilespmem:s9], [sflag:$0x3], $0x8000, $0x38;
	[tilespmem:$0x10400] =	vst v63  }
0x37: {  	_ =	swait.ge [sflag:s3], $0x8000  }
0x38: {  	[sflag:s3] =	ssyncset.done $0x0  }
0x39: {  	s21 =	sadd.s32 $0x311600, s23;
	[sflag:s3] =	ssyncadd.s32 $0xFFFF8000  }
0x3a: {  	[tilespmem:s9], [sflag:$0x1] =	stream.indirect.gather [hbm4b:s21+s8], $0x80, s6, s8, $0xb8;
	[tilespmem:$0x10400] =	vst v63  }
0x3b: {  	_ =	swait.ge [sflag:s14], $0x8000  }
0x3c: {  	[sflag:s14] =	ssyncset.done $0x0  }
0x3d: {  	s22 =	sadd.s32 s22, s26;
	[sflag:s14] =	ssyncadd.s32 $0xFFFF8000  }
0x3e: {  	[hbm4b:s22+s2] =	stream.linear.scatter [tilespmem:s10], [sflag:$0x3], $0x8000, $0x38;
	[tilespmem:$0x10400] =	vst v63  }
0x3f: {  	_ =	swait.ge [sflag:s3], $0x8000  }
0x40: {  	[sflag:s3] =	ssyncset.done $0x0  }
0x41: {  	[sflag:s3] =	ssyncadd.s32 $0xFFFF8000  }
0x42: {  	[tilespmem:s10], [sflag:$0x2] =	stream.indirect.gather [hbm4b:s21+s8], $0x80, s16, s8, $0xb8;
	[tilespmem:$0x10400] =	vst v63  }
0x43: {  	_ =	swait.ge [sflag:s11], $0x8000  }
0x44: {  	s28 =	sadd.s32 $0x24AC00, s23;
	[sflag:s11] =	ssyncset.done $0x0  }
0x45: {  	s24 =	ssub.s32 $0x2, s24;
	s23 =	sadd.s32 s28, s25;
	[sflag:s11] =	ssyncadd.s32 $0xFFFF8000  }
0x46: {  	[hbm4b:s23+s2] =	stream.linear.scatter [tilespmem:s9], [sflag:$0x3], $0x8000, $0x38;
	[tilespmem:$0x10400] =	vst v63  }
0x47: {  	s31 =	sshrl.u32 s24, $0x1;
	_ =	swait.ge [sflag:s3], $0x8000  }
0x48: {  	s25 =	ssub.s32 s24, s31;
	[sflag:s3] =	ssyncset.done $0x0  }
0x49: {  	s25 =	smax.u32 s25, $0x1;
	[sflag:s3] =	ssyncadd.s32 $0xFFFF8000  }
0x4a: {  	p0 =	sne.s32 s25, $0x1;
	_ =	swait.ge [sflag:s14], $0x8000  }
.Ltmp0:
0x4b: {  	[sflag:s14] =	ssyncset.done $0x0;
	(pc) =	sbr.rel @!p0 .LBB2_2-.Ltmp0, $4  }
0x4c: {  	s24 =	sadd.s32 s28, s26;
	[sflag:s14] =	ssyncadd.s32 $0xFFFF8000  }
0x4d: {  	[hbm4b:s24+s2] =	stream.linear.scatter [tilespmem:s10], [sflag:$0x3], $0x8000, $0x38;
	[tilespmem:$0x10400] =	vst v63  }
0x4e: {  	_ =	swait.ge [sflag:s3], $0x8000  }
0x4f: {  	s25 =	sadd.s32 $0xFFFFFFFF, s25;
	[sflag:s3] =	ssyncset.done $0x0  }
.LBB2_1:
0x50: {  	p0 =	sne.s32 s25, $0x1;
	s25 =	sadd.s32 $0xFFFFFFFF, s25;
	[sflag:s3] =	ssyncadd.s32 $0xFFFF8000  }
0x51: {  	[tilespmem:s2], [sflag:$0x3] =	stream.linear.gather [hbm4b:s4+s2], $0x200, $0x38;
	[tilespmem:$0x10400] =	vst v63  }
0x52: {  	_ =	swait.ge [sflag:s3], $0x200  }
0x53: {  	[sflag:s3] =	ssyncset.done $0x0  }
0x54: {  	[sflag:s3] =	ssyncadd.s32 $0xFFFFFE00  }
0x55: {  	[tilespmem:s6], [sflag:$0x3] =	stream.linear.gather [hbm4b:s5+s2], $0x200, $0x38;
	[tilespmem:$0x10400] =	vst v63  }
0x56: {  	_ =	swait.ge [sflag:s3], $0x200  }
0x57: {  	[sflag:s3] =	ssyncset.done $0x0  }
0x58: {  	[sflag:s3] =	ssyncadd.s32 $0xFFFFFE00  }
0x59: {  	[tilespmem:s9], [sflag:$0x1] =	stream.indirect.gather [hbm4b:s7+s8], $0x80, s2, s8, $0xb8;
	[tilespmem:$0x10400] =	vst v63  }
0x5a: {  	_ = 	snop  }
0x5b: {  	[tilespmem:s10], [sflag:$0x2] =	stream.indirect.gather [hbm4b:s7+s8], $0x80, s8, s8, $0xb8;
	[tilespmem:$0x10400] =	vst v63  }
0x5c: {  	_ =	swait.ge [sflag:s11], $0x8000  }
0x5d: {  	[sflag:s11] =	ssyncset.done $0x0  }
0x5e: {  	[sflag:s11] =	ssyncadd.s32 $0xFFFF8000  }
0x5f: {  	[hbm4b:s12+s2] =	stream.linear.scatter [tilespmem:s9], [sflag:$0x3], $0x8000, $0x38;
	[tilespmem:$0x10400] =	vst v63  }
0x60: {  	_ =	swait.ge [sflag:s3], $0x8000  }
0x61: {  	[sflag:s3] =	ssyncset.done $0x0  }
0x62: {  	[sflag:s3] =	ssyncadd.s32 $0xFFFF8000  }
0x63: {  	[tilespmem:s9], [sflag:$0x1] =	stream.indirect.gather [hbm4b:s13+s8], $0x80, s6, s8, $0xb8;
	[tilespmem:$0x10400] =	vst v63  }
0x64: {  	_ =	swait.ge [sflag:s14], $0x8000  }
0x65: {  	[sflag:s14] =	ssyncset.done $0x0  }
0x66: {  	[sflag:s14] =	ssyncadd.s32 $0xFFFF8000  }
0x67: {  	[hbm4b:s15+s2] =	stream.linear.scatter [tilespmem:s10], [sflag:$0x3], $0x8000, $0x38;
	[tilespmem:$0x10400] =	vst v63  }
0x68: {  	_ =	swait.ge [sflag:s3], $0x8000  }
0x69: {  	[sflag:s3] =	ssyncset.done $0x0  }
0x6a: {  	[sflag:s3] =	ssyncadd.s32 $0xFFFF8000  }
0x6b: {  	[tilespmem:s10], [sflag:$0x2] =	stream.indirect.gather [hbm4b:s13+s8], $0x80, s16, s8, $0xb8;
	[tilespmem:$0x10400] =	vst v63  }
0x6c: {  	_ =	swait.ge [sflag:s11], $0x8000  }
0x6d: {  	[sflag:s11] =	ssyncset.done $0x0  }
0x6e: {  	[sflag:s11] =	ssyncadd.s32 $0xFFFF8000  }
0x6f: {  	[hbm4b:s17+s2] =	stream.linear.scatter [tilespmem:s9], [sflag:$0x3], $0x8000, $0x38;
	[tilespmem:$0x10400] =	vst v63  }
0x70: {  	_ =	swait.ge [sflag:s3], $0x8000  }
0x71: {  	[sflag:s3] =	ssyncset.done $0x0  }
0x72: {  	[sflag:s3] =	ssyncadd.s32 $0xFFFF8000  }
0x73: {  	[tilespmem:s9], [sflag:$0x1] =	stream.indirect.gather [hbm4b:s18+s8], $0x80, s2, s8, $0xb8;
	[tilespmem:$0x10400] =	vst v63  }
0x74: {  	_ =	swait.ge [sflag:s14], $0x8000  }
0x75: {  	[sflag:s14] =	ssyncset.done $0x0  }
0x76: {  	[sflag:s14] =	ssyncadd.s32 $0xFFFF8000  }
0x77: {  	[hbm4b:s19+s2] =	stream.linear.scatter [tilespmem:s10], [sflag:$0x3], $0x8000, $0x38;
	[tilespmem:$0x10400] =	vst v63  }
0x78: {  	_ =	swait.ge [sflag:s3], $0x8000  }
0x79: {  	[sflag:s3] =	ssyncset.done $0x0  }
0x7a: {  	[sflag:s3] =	ssyncadd.s32 $0xFFFF8000  }
0x7b: {  	[tilespmem:s10], [sflag:$0x2] =	stream.indirect.gather [hbm4b:s18+s8], $0x80, s8, s8, $0xb8;
	[tilespmem:$0x10400] =	vst v63  }
0x7c: {  	_ =	swait.ge [sflag:s11], $0x8000  }
0x7d: {  	[sflag:s11] =	ssyncset.done $0x0  }
0x7e: {  	[sflag:s11] =	ssyncadd.s32 $0xFFFF8000  }
0x7f: {  	[hbm4b:s20+s2] =	stream.linear.scatter [tilespmem:s9], [sflag:$0x3], $0x8000, $0x38;
	[tilespmem:$0x10400] =	vst v63  }
0x80: {  	_ =	swait.ge [sflag:s3], $0x8000  }
0x81: {  	[sflag:s3] =	ssyncset.done $0x0  }
0x82: {  	[sflag:s3] =	ssyncadd.s32 $0xFFFF8000  }
0x83: {  	[tilespmem:s9], [sflag:$0x1] =	stream.indirect.gather [hbm4b:s21+s8], $0x80, s6, s8, $0xb8;
	[tilespmem:$0x10400] =	vst v63  }
0x84: {  	_ =	swait.ge [sflag:s14], $0x8000  }
0x85: {  	[sflag:s14] =	ssyncset.done $0x0  }
0x86: {  	[sflag:s14] =	ssyncadd.s32 $0xFFFF8000  }
0x87: {  	[hbm4b:s22+s2] =	stream.linear.scatter [tilespmem:s10], [sflag:$0x3], $0x8000, $0x38;
	[tilespmem:$0x10400] =	vst v63  }
0x88: {  	_ =	swait.ge [sflag:s3], $0x8000  }
0x89: {  	[sflag:s3] =	ssyncset.done $0x0  }
0x8a: {  	[sflag:s3] =	ssyncadd.s32 $0xFFFF8000  }
0x8b: {  	[tilespmem:s10], [sflag:$0x2] =	stream.indirect.gather [hbm4b:s21+s8], $0x80, s16, s8, $0xb8;
	[tilespmem:$0x10400] =	vst v63  }
0x8c: {  	_ =	swait.ge [sflag:s11], $0x8000  }
0x8d: {  	[sflag:s11] =	ssyncset.done $0x0  }
0x8e: {  	[sflag:s11] =	ssyncadd.s32 $0xFFFF8000  }
0x8f: {  	[hbm4b:s23+s2] =	stream.linear.scatter [tilespmem:s9], [sflag:$0x3], $0x8000, $0x38;
	[tilespmem:$0x10400] =	vst v63  }
0x90: {  	_ =	swait.ge [sflag:s3], $0x8000  }
0x91: {  	[sflag:s3] =	ssyncset.done $0x0  }
0x92: {  	[sflag:s3] =	ssyncadd.s32 $0xFFFF8000  }
0x93: {  	_ =	swait.ge [sflag:s14], $0x8000  }
.Ltmp1:
0x94: {  	[sflag:s14] =	ssyncset.done $0x0;
	(pc) =	sbr.rel @p0 .LBB2_1-.Ltmp1, $4  }
0x95: {  	[sflag:s14] =	ssyncadd.s32 $0xFFFF8000  }
0x96: {  	[hbm4b:s24+s2] =	stream.linear.scatter [tilespmem:s10], [sflag:$0x3], $0x8000, $0x38;
	[tilespmem:$0x10400] =	vst v63  }
0x97: {  	_ =	swait.ge [sflag:s3], $0x8000  }
0x98: {  	[sflag:s3] =	ssyncset.done $0x0  }
.LBB2_2:
0x99: {  	[sflag:s3] =	ssyncadd.s32 $0xFFFF8000  }
0x9a: {  	_ =	sfence.sel $0x180000  }
0x9b: {  	[bflag:$0x0] =	sbarrier.arrive $0xFFFF  }
0x9c: {  	p0 =	sne.s32 s0, $0x0;
	_ =	strace $0x90000047  }
0x9d: {  	s0 =	sadd.s32 @!p0 $0x100000, s1;
	[bflag:$0x2] =	sbarrier.arrive $0xFFFF  }
0x9e: {  	[sflag:s0] =	ssyncadd.tile.s32 @!p0 $0x1;
	_ =	shalt  }
.Lfunc_end2:
_tile_overlayer_lowered:
.L_overlay_start_2:
0x9f: {  	(tag) =	ssettag $0x2  }
0xa0: {  	s0 =	rddreg [dreg:$0x0];
	s2 =	stileid.u32  }
0xa1: {  	s1 =	rddreg [dreg:$0x1];
	p0 =	sne.s32 s2, $0x0  }
0xa2: {  	s3 =	rddreg [dreg:$0x2];
	[bflag:$0x3] =	sbarrier.arrive $0xFFFF;
	s2 =	simm.s32 @!p0 $0x1C03  }
0xa3: {  	[timem:s3], [sflag:s2] =	dma.local @!p0 [hbm:s0], s1  }
0xa4: {  	s0 =	simm.s32 @!p0 $0x3  }
0xa5: {  	_ =	swait.ge @!p0 [sflag:s0], s1  }
0xa6: {  	s1 =	ssub.s32 @!p0 $0x0, s1;
	[sflag:s0] =	ssyncset.done @!p0 $0x0  }
0xa7: {  	[sflag:s0] =	ssyncadd.s32 @!p0 s1  }
0xa8: {  	[bflag:$0x3] =	sbarrier.arrive $0xFFFF  }
0xa9: {  	_ =	shalt  }

</sc_bundles>
